<compile_context>
chip_gen: v7x
topology: tpu7x:2x2x1
jax: 0.10.2.dev20260603
libtpu: 0.0.44.dev20260713+nightly
codegen_flags: <defaults>
</compile_context>

<pallas_src>
import jax
import jax.numpy as jnp
from jax import lax
from jax.experimental import pallas as pl
from jax.experimental.pallas import tpu as pltpu
from jax.experimental.pallas import tpu_sc as plsc

N = 10000
E = 320000
IN_CH = 128
HID = 64
OUT = 2
G = 64

NC = 2
NS = 16
NW = NC * NS

CHUNK = 128
EPW = E // NW
NCHUNK = -(-EPW // CHUNK)
EPW_PAD = NCHUNK * CHUNK
E_PAD = EPW_PAD * NW

RPT = 632
N_ACC = RPT * NS
DUMMY = N + 8

BN = 1000
NBUF = 3

_PREC = lax.Precision.HIGHEST


def _sc_mesh():
    return plsc.VectorSubcoreMesh(
        core_axis_name="c", subcore_axis_name="s", num_cores=NC, num_subcores=NS
    )


def _deg_body(dstp_hbm, ones8_hbm, zero8_hbm, out_hbm, dst_v, ones_v, wout_v,
              acc_sh):
    cid = lax.axis_index("c")
    sid = lax.axis_index("s")
    wid = sid * NC + cid
    row0 = sid * RPT

    pltpu.sync_copy(dstp_hbm.at[wid], dst_v)
    pltpu.sync_copy(ones8_hbm, ones_v)
    pltpu.sync_copy(zero8_hbm, wout_v)
    pltpu.sync_copy(wout_v, acc_sh.at[pl.ds(row0, RPT)])
    plsc.subcore_barrier()

    def body(j, _):
        pltpu.sync_copy(ones_v, acc_sh.at[dst_v.at[j]], add=True)
        return ()

    lax.fori_loop(0, NCHUNK, body, (), unroll=False)

    plsc.subcore_barrier()
    pltpu.sync_copy(acc_sh.at[pl.ds(row0, RPT)], wout_v)
    pltpu.sync_copy(wout_v, out_hbm.at[cid, pl.ds(row0, RPT)])


_deg_call = pl.kernel(
    _deg_body,
    out_type=jax.ShapeDtypeStruct((NC, N_ACC, 8), jnp.float32),
    mesh=_sc_mesh(),
    compiler_params=pltpu.CompilerParams(use_tc_tiling_on_sc=False),
    scratch_types=[
        pltpu.VMEM((NCHUNK, CHUNK), jnp.int32),
        pltpu.VMEM((CHUNK, 8), jnp.float32),
        pltpu.VMEM((RPT, 8), jnp.float32),
        pltpu.VMEM_SHARED((N_ACC, 8), jnp.float32),
    ],
)


def _agg_body(hs_hbm, srcp_hbm, dstp_hbm, zero64_hbm, out_hbm,
              src_v, dst_v, rows_v, wout_v, acc_sh, gsem):
    cid = lax.axis_index("c")
    sid = lax.axis_index("s")
    wid = sid * NC + cid
    row0 = sid * RPT

    pltpu.sync_copy(srcp_hbm.at[wid], src_v)
    pltpu.sync_copy(dstp_hbm.at[wid], dst_v)

    pltpu.sync_copy(zero64_hbm, rows_v.at[0])
    for k in range(4):
        pltpu.sync_copy(rows_v.at[0], acc_sh.at[pl.ds(row0 + k * CHUNK, CHUNK)])
    pltpu.sync_copy(rows_v.at[0, pl.ds(0, RPT - 4 * CHUNK)],
                    acc_sh.at[pl.ds(row0 + 4 * CHUNK, RPT - 4 * CHUNK)])
    plsc.subcore_barrier()

    def start_g(j, b):
        pltpu.async_copy(hs_hbm.at[src_v.at[j]], rows_v.at[b], gsem.at[b])

    def wait_g(j, b):
        pltpu.make_async_copy(hs_hbm.at[src_v.at[j]], rows_v.at[b], gsem.at[b]).wait()

    for j in range(NBUF - 1):
        start_g(j, j)

    def body(j, _):
        b = lax.rem(j, NBUF)
        wait_g(j, b)
        pltpu.sync_copy(rows_v.at[b], acc_sh.at[dst_v.at[j]], add=True)
        jn = j + NBUF - 1

        @pl.when(jn < NCHUNK)
        def _():
            start_g(jn, lax.rem(jn, NBUF))

        return ()

    lax.fori_loop(0, NCHUNK, body, (), unroll=False)

    plsc.subcore_barrier()
    pltpu.sync_copy(acc_sh.at[pl.ds(row0, RPT)], wout_v)
    pltpu.sync_copy(wout_v, out_hbm.at[cid, pl.ds(row0, RPT)])


_agg_call = pl.kernel(
    _agg_body,
    out_type=jax.ShapeDtypeStruct((NC, N_ACC, HID), jnp.float32),
    mesh=_sc_mesh(),
    compiler_params=pltpu.CompilerParams(use_tc_tiling_on_sc=False),
    scratch_types=[
        pltpu.VMEM((NCHUNK, CHUNK), jnp.int32),
        pltpu.VMEM((NCHUNK, CHUNK), jnp.int32),
        pltpu.VMEM((NBUF, CHUNK, HID), jnp.float32),
        pltpu.VMEM((RPT, HID), jnp.float32),
        pltpu.VMEM_SHARED((N_ACC, HID), jnp.float32),
        pltpu.SemaphoreType.DMA((NBUF,)),
    ],
)


def _tc1_body(x_ref, w_ref, c_ref, hs_ref, dinv_ref):
    s = c_ref[0, :, 0:1] + c_ref[1, :, 0:1]
    dinv = lax.rsqrt(1.0 + s)
    h = jnp.dot(x_ref[...], w_ref[...],
                preferred_element_type=jnp.float32)
    hs_ref[...] = dinv * h
    dinv_ref[...] = dinv


_tc1_call = pl.pallas_call(
    _tc1_body,
    grid=(N // BN,),
    in_specs=[
        pl.BlockSpec((BN, IN_CH), lambda i: (i, 0)),
        pl.BlockSpec((IN_CH, HID), lambda i: (0, 0)),
        pl.BlockSpec((NC, BN, 8), lambda i: (0, i, 0)),
    ],
    out_specs=[
        pl.BlockSpec((BN, HID), lambda i: (i, 0)),
        pl.BlockSpec((BN, 1), lambda i: (i, 0)),
    ],
    out_shape=[
        jax.ShapeDtypeStruct((N, HID), jnp.float32),
        jax.ShapeDtypeStruct((N, 1), jnp.float32),
    ],
)


def _tc2_body(p_ref, hs1_ref, dinv_ref, b_ref, w_ref, hs2_ref):
    dinv = dinv_ref[...]
    h = p_ref[0] + p_ref[1] + hs1_ref[...]
    h = jnp.maximum(dinv * h + b_ref[...], 0.0)
    hs2_ref[...] = dinv * jnp.dot(h, w_ref[...],
                                  preferred_element_type=jnp.float32)


_tc2_call = pl.pallas_call(
    _tc2_body,
    grid=(N // BN,),
    in_specs=[
        pl.BlockSpec((NC, BN, HID), lambda i: (0, i, 0)),
        pl.BlockSpec((BN, HID), lambda i: (i, 0)),
        pl.BlockSpec((BN, 1), lambda i: (i, 0)),
        pl.BlockSpec((1, HID), lambda i: (0, 0)),
        pl.BlockSpec((HID, HID), lambda i: (0, 0)),
    ],
    out_specs=pl.BlockSpec((BN, HID), lambda i: (i, 0)),
    out_shape=jax.ShapeDtypeStruct((N, HID), jnp.float32),
)


def _tc3_body(p_ref, hs2_ref, dinv_ref, b_ref, batch_ref, wc_ref, bc_ref,
              out_ref, seg_acc, cnt_acc):
    i = pl.program_id(0)

    @pl.when(i == 0)
    def _():
        seg_acc[...] = jnp.zeros_like(seg_acc)
        cnt_acc[...] = jnp.zeros_like(cnt_acc)

    dinv = dinv_ref[...]
    h = p_ref[0] + p_ref[1] + hs2_ref[...]
    h = jnp.maximum(dinv * h + b_ref[...], 0.0)

    gid = lax.broadcasted_iota(jnp.int32, (BN, G), 1)
    onehot = (batch_ref[...] == gid).astype(jnp.float32)
    seg_acc[...] += lax.dot_general(onehot, h, (((0,), (0,)), ((), ())),
                                    precision=_PREC,
                                    preferred_element_type=jnp.float32)
    cnt_acc[...] += lax.dot_general(onehot, jnp.ones((BN, 1), jnp.float32),
                                    (((0,), (0,)), ((), ())),
                                    precision=_PREC,
                                    preferred_element_type=jnp.float32)

    @pl.when(i == pl.num_programs(0) - 1)
    def _():
        mean = seg_acc[...] / jnp.maximum(cnt_acc[...], 1.0)
        out_ref[...] = jnp.dot(mean, wc_ref[...],
                               preferred_element_type=jnp.float32) + bc_ref[...]


_tc3_call = pl.pallas_call(
    _tc3_body,
    grid=(N // BN,),
    in_specs=[
        pl.BlockSpec((NC, BN, HID), lambda i: (0, i, 0)),
        pl.BlockSpec((BN, HID), lambda i: (i, 0)),
        pl.BlockSpec((BN, 1), lambda i: (i, 0)),
        pl.BlockSpec((1, HID), lambda i: (0, 0)),
        pl.BlockSpec((BN, 1), lambda i: (i, 0)),
        pl.BlockSpec((HID, OUT), lambda i: (0, 0)),
        pl.BlockSpec((1, OUT), lambda i: (0, 0)),
    ],
    out_specs=pl.BlockSpec((G, OUT), lambda i: (0, 0)),
    out_shape=jax.ShapeDtypeStruct((G, OUT), jnp.float32),
    scratch_shapes=[
        pltpu.VMEM((G, HID), jnp.float32),
        pltpu.VMEM((G, 1), jnp.float32),
    ],
)


def kernel(x, edge_index, batch, W1, b1, W2, b2, Wc, bc):
    src = edge_index[0].astype(jnp.int32)
    dst = edge_index[1].astype(jnp.int32)
    pad = E_PAD - E
    srcp = jnp.concatenate([src, jnp.zeros((pad,), jnp.int32)]).reshape(NW, NCHUNK, CHUNK)
    dstp = jnp.concatenate([dst, jnp.full((pad,), DUMMY, jnp.int32)]).reshape(NW, NCHUNK, CHUNK)

    ones8 = jnp.zeros((CHUNK, 8), jnp.float32).at[:, 0].set(1.0)
    zero8 = jnp.zeros((RPT, 8), jnp.float32)
    zero64 = jnp.zeros((CHUNK, HID), jnp.float32)

    c = _deg_call(dstp, ones8, zero8)
    hs1, dinv = _tc1_call(x, W1, c[:, :N, :])

    p1 = _agg_call(hs1, srcp, dstp, zero64)
    hs2 = _tc2_call(p1[:, :N, :], hs1, dinv, b1.reshape(1, HID), W2)

    p2 = _agg_call(hs2, srcp, dstp, zero64)
    out = _tc3_call(p2[:, :N, :], hs2, dinv, b2.reshape(1, HID),
                    batch.astype(jnp.int32).reshape(N, 1), Wc, bc.reshape(1, OUT))
    return out

# --- scband reference (transcript-rebuilt; emitter-appended) ---
"""Pipeline reference for scband-gcnmodel-3951369912906 (READ-ONLY COPY).

The authoritative reference and input builder live on the scoring server;
editing this copy changes nothing except your own understanding.
"""

import jax, jax.numpy as jnp
import numpy as np

N = 10000
E = 320000
IN_CH = 128
HID = 64
OUT = 2
NUM_GRAPHS = 64


def setup_inputs(seed: int = 0) -> dict:
    key = jax.random.key(seed)
    ks = jax.random.split(key, 10)
    x = jax.random.normal(ks[0], (N, IN_CH), dtype=jnp.float32)
    edge_index = jax.random.randint(ks[1], (2, E), 0, N)
    batch = jnp.sort(jax.random.randint(ks[2], (N,), 0, NUM_GRAPHS))
    W1 = jax.random.normal(ks[3], (IN_CH, HID), dtype=jnp.float32) * (1.0 / np.sqrt(IN_CH))
    b1 = jnp.zeros((HID,), dtype=jnp.float32)
    W2 = jax.random.normal(ks[4], (HID, HID), dtype=jnp.float32) * (1.0 / np.sqrt(HID))
    b2 = jnp.zeros((HID,), dtype=jnp.float32)
    Wc = jax.random.normal(ks[5], (HID, OUT), dtype=jnp.float32) * (1.0 / np.sqrt(HID))
    bc = jnp.zeros((OUT,), dtype=jnp.float32)
    return {"x": x, "edge_index": edge_index, "batch": batch,
            "W1": W1, "b1": b1, "W2": W2, "b2": b2, "Wc": Wc, "bc": bc}


def gcn_conv(x, edge_index, W, b):
    # PyG GCNConv: x' = D^{-1/2} (A + I) D^{-1/2} (x W) + b
    h = x @ W
    loop = jnp.arange(N)
    src = jnp.concatenate([edge_index[0], loop])
    dst = jnp.concatenate([edge_index[1], loop])
    deg = jax.ops.segment_sum(jnp.ones_like(dst, dtype=h.dtype), dst, num_segments=N)
    dinv = jnp.where(deg > 0, jax.lax.rsqrt(deg), 0.0)
    norm = dinv[src] * dinv[dst]
    msgs = jnp.take(h, src, axis=0) * norm[:, None]
    out = jax.ops.segment_sum(msgs, dst, num_segments=N)
    return out + b


def reference(x, edge_index, batch, W1, b1, W2, b2, Wc, bc):
    h = jax.nn.relu(gcn_conv(x, edge_index, W1, b1))
    h = jax.nn.relu(gcn_conv(h, edge_index, W2, b2))
    sums = jax.ops.segment_sum(h, batch, num_segments=NUM_GRAPHS)
    counts = jax.ops.segment_sum(jnp.ones((N,), dtype=h.dtype), batch, num_segments=NUM_GRAPHS)
    mean = sums / jnp.clip(counts, 1.0)[:, None]
    return mean @ Wc + bc

if __name__ == "__main__":
    import jax
    _d = setup_inputs()
    print(jax.jit(kernel)(*tuple(_d.values())))

</pallas_src>

<mosaic_0001>
#map = affine_map<(d0, d1) -> (0, 0)>
#map1 = affine_map<(d0, d1) -> (0, 0, 0)>
module attributes {stable_mosaic.version = 14 : i64} {
  func.func @_agg_body(%arg0: i32, %arg1: i32, %arg2: memref<10000x64xf32, #tpu.memory_space<hbm>>, %arg3: memref<32x79x128xi32, #tpu.memory_space<hbm>>, %arg4: memref<32x79x128xi32, #tpu.memory_space<hbm>>, %arg5: memref<128x64xf32, #tpu.memory_space<hbm>>, %arg6: memref<2x10112x64xf32, #tpu.memory_space<hbm>>, %arg7: memref<79x128xi32, #tpu.memory_space<vmem>>, %arg8: memref<79x128xi32, #tpu.memory_space<vmem>>, %arg9: memref<3x128x64xf32, #tpu.memory_space<vmem>>, %arg10: memref<632x64xf32, #tpu.memory_space<vmem>>, %arg11: memref<10112x64xf32, #tpu.memory_space<vmem_shared>>, %arg12: memref<3x!tpu.dma_semaphore, #tpu.memory_space<semaphore_mem>>) attributes {dimension_semantics = [#tpu.dimension_semantics<core_parallel>, #tpu.dimension_semantics<subcore_parallel>], iteration_bounds = array<i64: 2, 16>, scalar_prefetch = 0 : i64, scratch_operands = 6 : i64, tpu.core_type = #tpu.core_type<sc_vector_subcore>, window_params = [{transform_indices = #map}, {transform_indices = #map1}, {transform_indices = #map1}, {transform_indices = #map}, {transform_indices = #map1}]} {
    %mul3A = arith.constant 2 : i32
    %mul3A_0 = arith.muli %arg1, %mul3A : i32
    %add3A = arith.addi %mul3A_0, %arg0 : i32
    %mul3A_1 = arith.constant 632 : i32
    %mul3A_2 = arith.muli %arg1, %mul3A_1 : i32
    "tpu.region"() ({
      %run_scoped3A_52 = tpu.sem_alloc : memref<!tpu.dma_semaphore, #tpu.memory_space<semaphore_mem>>
      %dma_start3A_53 = arith.constant 0 : i32
      %dma_start3A_54 = arith.constant 0 : i32
      %dma_start3A_55 = tpu.memref_slice %arg3[%add3A, %dma_start3A_53, %dma_start3A_54] : memref<32x79x128xi32, #tpu.memory_space<hbm>> -> memref<1x79x128xi32, #tpu.memory_space<hbm>>
      %dma_start3A_56 = tpu.memref_squeeze %dma_start3A_55 : memref<1x79x128xi32, #tpu.memory_space<hbm>> -> memref<79x128xi32, #tpu.memory_space<hbm>>
      %dma_start3A_57 = arith.constant 0 : i32
      %dma_start3A_58 = arith.constant 0 : i32
      %dma_start3A_59 = tpu.memref_slice %arg3[%add3A, %dma_start3A_57, %dma_start3A_58] : memref<32x79x128xi32, #tpu.memory_space<hbm>> -> memref<1x79x128xi32, #tpu.memory_space<hbm>>
      %dma_start3A_60 = tpu.memref_squeeze %dma_start3A_59 : memref<1x79x128xi32, #tpu.memory_space<hbm>> -> memref<79x128xi32, #tpu.memory_space<hbm>>
      tpu.enqueue_dma source(%dma_start3A_60 : memref<79x128xi32, #tpu.memory_space<hbm>>) target(%arg7 : memref<79x128xi32, #tpu.memory_space<vmem>>) target_semaphore(%run_scoped3A_52 : memref<!tpu.dma_semaphore, #tpu.memory_space<semaphore_mem>>)
      %dma_wait3A = arith.constant 0 : i32
      %dma_wait3A_61 = arith.constant 0 : i32
      %dma_wait3A_62 = tpu.memref_slice %arg3[%add3A, %dma_wait3A, %dma_wait3A_61] : memref<32x79x128xi32, #tpu.memory_space<hbm>> -> memref<1x79x128xi32, #tpu.memory_space<hbm>>
      %dma_wait3A_63 = tpu.memref_squeeze %dma_wait3A_62 : memref<1x79x128xi32, #tpu.memory_space<hbm>> -> memref<79x128xi32, #tpu.memory_space<hbm>>
      %dma_wait3A_64 = arith.constant 0 : i32
      %dma_wait3A_65 = arith.constant 0 : i32
      %dma_wait3A_66 = tpu.memref_slice %arg3[%add3A, %dma_wait3A_64, %dma_wait3A_65] : memref<32x79x128xi32, #tpu.memory_space<hbm>> -> memref<1x79x128xi32, #tpu.memory_space<hbm>>
      %dma_wait3A_67 = tpu.memref_squeeze %dma_wait3A_66 : memref<1x79x128xi32, #tpu.memory_space<hbm>> -> memref<79x128xi32, #tpu.memory_space<hbm>>
      tpu.wait_dma2 semaphore(%run_scoped3A_52 : memref<!tpu.dma_semaphore, #tpu.memory_space<semaphore_mem>>) src(%dma_wait3A_67 : memref<79x128xi32, #tpu.memory_space<hbm>>) dst(%arg7 : memref<79x128xi32, #tpu.memory_space<vmem>>)
      tpu.yield
    }) : () -> ()
    "tpu.region"() ({
      %run_scoped3A_52 = tpu.sem_alloc : memref<!tpu.dma_semaphore, #tpu.memory_space<semaphore_mem>>
      %dma_start3A_53 = arith.constant 0 : i32
      %dma_start3A_54 = arith.constant 0 : i32
      %dma_start3A_55 = tpu.memref_slice %arg4[%add3A, %dma_start3A_53, %dma_start3A_54] : memref<32x79x128xi32, #tpu.memory_space<hbm>> -> memref<1x79x128xi32, #tpu.memory_space<hbm>>
      %dma_start3A_56 = tpu.memref_squeeze %dma_start3A_55 : memref<1x79x128xi32, #tpu.memory_space<hbm>> -> memref<79x128xi32, #tpu.memory_space<hbm>>
      %dma_start3A_57 = arith.constant 0 : i32
      %dma_start3A_58 = arith.constant 0 : i32
      %dma_start3A_59 = tpu.memref_slice %arg4[%add3A, %dma_start3A_57, %dma_start3A_58] : memref<32x79x128xi32, #tpu.memory_space<hbm>> -> memref<1x79x128xi32, #tpu.memory_space<hbm>>
      %dma_start3A_60 = tpu.memref_squeeze %dma_start3A_59 : memref<1x79x128xi32, #tpu.memory_space<hbm>> -> memref<79x128xi32, #tpu.memory_space<hbm>>
      tpu.enqueue_dma source(%dma_start3A_60 : memref<79x128xi32, #tpu.memory_space<hbm>>) target(%arg8 : memref<79x128xi32, #tpu.memory_space<vmem>>) target_semaphore(%run_scoped3A_52 : memref<!tpu.dma_semaphore, #tpu.memory_space<semaphore_mem>>)
      %dma_wait3A = arith.constant 0 : i32
      %dma_wait3A_61 = arith.constant 0 : i32
      %dma_wait3A_62 = tpu.memref_slice %arg4[%add3A, %dma_wait3A, %dma_wait3A_61] : memref<32x79x128xi32, #tpu.memory_space<hbm>> -> memref<1x79x128xi32, #tpu.memory_space<hbm>>
      %dma_wait3A_63 = tpu.memref_squeeze %dma_wait3A_62 : memref<1x79x128xi32, #tpu.memory_space<hbm>> -> memref<79x128xi32, #tpu.memory_space<hbm>>
      %dma_wait3A_64 = arith.constant 0 : i32
      %dma_wait3A_65 = arith.constant 0 : i32
      %dma_wait3A_66 = tpu.memref_slice %arg4[%add3A, %dma_wait3A_64, %dma_wait3A_65] : memref<32x79x128xi32, #tpu.memory_space<hbm>> -> memref<1x79x128xi32, #tpu.memory_space<hbm>>
      %dma_wait3A_67 = tpu.memref_squeeze %dma_wait3A_66 : memref<1x79x128xi32, #tpu.memory_space<hbm>> -> memref<79x128xi32, #tpu.memory_space<hbm>>
      tpu.wait_dma2 semaphore(%run_scoped3A_52 : memref<!tpu.dma_semaphore, #tpu.memory_space<semaphore_mem>>) src(%dma_wait3A_67 : memref<79x128xi32, #tpu.memory_space<hbm>>) dst(%arg8 : memref<79x128xi32, #tpu.memory_space<vmem>>)
      tpu.yield
    }) : () -> ()
    %run_scoped3A = arith.constant 0 : i32
    "tpu.region"() ({
      %run_scoped3A_52 = tpu.sem_alloc : memref<!tpu.dma_semaphore, #tpu.memory_space<semaphore_mem>>
      %dma_start3A_53 = arith.constant 0 : i32
      %dma_start3A_54 = arith.constant 0 : i32
      %dma_start3A_55 = tpu.memref_slice %arg9[%run_scoped3A, %dma_start3A_53, %dma_start3A_54] : memref<3x128x64xf32, #tpu.memory_space<vmem>> -> memref<1x128x64xf32, #tpu.memory_space<vmem>>
      %dma_start3A_56 = tpu.memref_squeeze %dma_start3A_55 : memref<1x128x64xf32, #tpu.memory_space<vmem>> -> memref<128x64xf32, #tpu.memory_space<vmem>>
      %dma_start3A_57 = arith.constant 0 : i32
      %dma_start3A_58 = arith.constant 0 : i32
      %dma_start3A_59 = tpu.memref_slice %arg9[%run_scoped3A, %dma_start3A_57, %dma_start3A_58] : memref<3x128x64xf32, #tpu.memory_space<vmem>> -> memref<1x128x64xf32, #tpu.memory_space<vmem>>
      %dma_start3A_60 = tpu.memref_squeeze %dma_start3A_59 : memref<1x128x64xf32, #tpu.memory_space<vmem>> -> memref<128x64xf32, #tpu.memory_space<vmem>>
      tpu.enqueue_dma source(%arg5 : memref<128x64xf32, #tpu.memory_space<hbm>>) target(%dma_start3A_60 : memref<128x64xf32, #tpu.memory_space<vmem>>) target_semaphore(%run_scoped3A_52 : memref<!tpu.dma_semaphore, #tpu.memory_space<semaphore_mem>>)
      %dma_wait3A = arith.constant 0 : i32
      %dma_wait3A_61 = arith.constant 0 : i32
      %dma_wait3A_62 = tpu.memref_slice %arg9[%run_scoped3A, %dma_wait3A, %dma_wait3A_61] : memref<3x128x64xf32, #tpu.memory_space<vmem>> -> memref<1x128x64xf32, #tpu.memory_space<vmem>>
      %dma_wait3A_63 = tpu.memref_squeeze %dma_wait3A_62 : memref<1x128x64xf32, #tpu.memory_space<vmem>> -> memref<128x64xf32, #tpu.memory_space<vmem>>
      %dma_wait3A_64 = arith.constant 0 : i32
      %dma_wait3A_65 = arith.constant 0 : i32
      %dma_wait3A_66 = tpu.memref_slice %arg9[%run_scoped3A, %dma_wait3A_64, %dma_wait3A_65] : memref<3x128x64xf32, #tpu.memory_space<vmem>> -> memref<1x128x64xf32, #tpu.memory_space<vmem>>
      %dma_wait3A_67 = tpu.memref_squeeze %dma_wait3A_66 : memref<1x128x64xf32, #tpu.memory_space<vmem>> -> memref<128x64xf32, #tpu.memory_space<vmem>>
      tpu.wait_dma2 semaphore(%run_scoped3A_52 : memref<!tpu.dma_semaphore, #tpu.memory_space<semaphore_mem>>) src(%arg5 : memref<128x64xf32, #tpu.memory_space<hbm>>) dst(%dma_wait3A_67 : memref<128x64xf32, #tpu.memory_space<vmem>>)
      tpu.yield
    }) : () -> ()
    %add3A_3 = arith.constant 0 : i32
    %add3A_4 = arith.addi %mul3A_2, %add3A_3 : i32
    %run_scoped3A_5 = arith.constant 0 : i32
    "tpu.region"() ({
      %run_scoped3A_52 = tpu.sem_alloc : memref<!tpu.dma_semaphore, #tpu.memory_space<semaphore_mem>>
      %dma_start3A_53 = arith.constant 0 : i32
      %dma_start3A_54 = arith.constant 0 : i32
      %dma_start3A_55 = tpu.memref_slice %arg9[%run_scoped3A_5, %dma_start3A_53, %dma_start3A_54] : memref<3x128x64xf32, #tpu.memory_space<vmem>> -> memref<1x128x64xf32, #tpu.memory_space<vmem>>
      %dma_start3A_56 = tpu.memref_squeeze %dma_start3A_55 : memref<1x128x64xf32, #tpu.memory_space<vmem>> -> memref<128x64xf32, #tpu.memory_space<vmem>>
      %dma_start3A_57 = arith.constant 0 : i32
      %dma_start3A_58 = tpu.memref_slice %arg11[%add3A_4, %dma_start3A_57] : memref<10112x64xf32, #tpu.memory_space<vmem_shared>> -> memref<128x64xf32, #tpu.memory_space<vmem_shared>>
      %dma_start3A_59 = arith.constant 0 : i32
      %dma_start3A_60 = tpu.memref_slice %arg11[%add3A_4, %dma_start3A_59] : memref<10112x64xf32, #tpu.memory_space<vmem_shared>> -> memref<128x64xf32, #tpu.memory_space<vmem_shared>>
      %dma_start3A_61 = arith.constant 0 : i32
      %dma_start3A_62 = arith.constant 0 : i32
      %dma_start3A_63 = tpu.memref_slice %arg9[%run_scoped3A_5, %dma_start3A_61, %dma_start3A_62] : memref<3x128x64xf32, #tpu.memory_space<vmem>> -> memref<1x128x64xf32, #tpu.memory_space<vmem>>
      %dma_start3A_64 = tpu.memref_squeeze %dma_start3A_63 : memref<1x128x64xf32, #tpu.memory_space<vmem>> -> memref<128x64xf32, #tpu.memory_space<vmem>>
      tpu.enqueue_dma source(%dma_start3A_64 : memref<128x64xf32, #tpu.memory_space<vmem>>) target(%dma_start3A_60 : memref<128x64xf32, #tpu.memory_space<vmem_shared>>) target_semaphore(%run_scoped3A_52 : memref<!tpu.dma_semaphore, #tpu.memory_space<semaphore_mem>>)
      %dma_wait3A = arith.constant 0 : i32
      %dma_wait3A_65 = arith.constant 0 : i32
      %dma_wait3A_66 = tpu.memref_slice %arg9[%run_scoped3A_5, %dma_wait3A, %dma_wait3A_65] : memref<3x128x64xf32, #tpu.memory_space<vmem>> -> memref<1x128x64xf32, #tpu.memory_space<vmem>>
      %dma_wait3A_67 = tpu.memref_squeeze %dma_wait3A_66 : memref<1x128x64xf32, #tpu.memory_space<vmem>> -> memref<128x64xf32, #tpu.memory_space<vmem>>
      %dma_wait3A_68 = arith.constant 0 : i32
      %dma_wait3A_69 = tpu.memref_slice %arg11[%add3A_4, %dma_wait3A_68] : memref<10112x64xf32, #tpu.memory_space<vmem_shared>> -> memref<128x64xf32, #tpu.memory_space<vmem_shared>>
      %dma_wait3A_70 = arith.constant 0 : i32
      %dma_wait3A_71 = tpu.memref_slice %arg11[%add3A_4, %dma_wait3A_70] : memref<10112x64xf32, #tpu.memory_space<vmem_shared>> -> memref<128x64xf32, #tpu.memory_space<vmem_shared>>
      %dma_wait3A_72 = arith.constant 0 : i32
      %dma_wait3A_73 = arith.constant 0 : i32
      %dma_wait3A_74 = tpu.memref_slice %arg9[%run_scoped3A_5, %dma_wait3A_72, %dma_wait3A_73] : memref<3x128x64xf32, #tpu.memory_space<vmem>> -> memref<1x128x64xf32, #tpu.memory_space<vmem>>
      %dma_wait3A_75 = tpu.memref_squeeze %dma_wait3A_74 : memref<1x128x64xf32, #tpu.memory_space<vmem>> -> memref<128x64xf32, #tpu.memory_space<vmem>>
      tpu.wait_dma2 semaphore(%run_scoped3A_52 : memref<!tpu.dma_semaphore, #tpu.memory_space<semaphore_mem>>) src(%dma_wait3A_75 : memref<128x64xf32, #tpu.memory_space<vmem>>) dst(%dma_wait3A_71 : memref<128x64xf32, #tpu.memory_space<vmem_shared>>)
      tpu.yield
    }) : () -> ()
    %add3A_6 = arith.constant 128 : i32
    %add3A_7 = arith.addi %mul3A_2, %add3A_6 : i32
    %run_scoped3A_8 = arith.constant 0 : i32
    "tpu.region"() ({
      %run_scoped3A_52 = tpu.sem_alloc : memref<!tpu.dma_semaphore, #tpu.memory_space<semaphore_mem>>
      %dma_start3A_53 = arith.constant 0 : i32
      %dma_start3A_54 = arith.constant 0 : i32
      %dma_start3A_55 = tpu.memref_slice %arg9[%run_scoped3A_8, %dma_start3A_53, %dma_start3A_54] : memref<3x128x64xf32, #tpu.memory_space<vmem>> -> memref<1x128x64xf32, #tpu.memory_space<vmem>>
      %dma_start3A_56 = tpu.memref_squeeze %dma_start3A_55 : memref<1x128x64xf32, #tpu.memory_space<vmem>> -> memref<128x64xf32, #tpu.memory_space<vmem>>
      %dma_start3A_57 = arith.constant 0 : i32
      %dma_start3A_58 = tpu.memref_slice %arg11[%add3A_7, %dma_start3A_57] : memref<10112x64xf32, #tpu.memory_space<vmem_shared>> -> memref<128x64xf32, #tpu.memory_space<vmem_shared>>
      %dma_start3A_59 = arith.constant 0 : i32
      %dma_start3A_60 = tpu.memref_slice %arg11[%add3A_7, %dma_start3A_59] : memref<10112x64xf32, #tpu.memory_space<vmem_shared>> -> memref<128x64xf32, #tpu.memory_space<vmem_shared>>
      %dma_start3A_61 = arith.constant 0 : i32
      %dma_start3A_62 = arith.constant 0 : i32
      %dma_start3A_63 = tpu.memref_slice %arg9[%run_scoped3A_8, %dma_start3A_61, %dma_start3A_62] : memref<3x128x64xf32, #tpu.memory_space<vmem>> -> memref<1x128x64xf32, #tpu.memory_space<vmem>>
      %dma_start3A_64 = tpu.memref_squeeze %dma_start3A_63 : memref<1x128x64xf32, #tpu.memory_space<vmem>> -> memref<128x64xf32, #tpu.memory_space<vmem>>
      tpu.enqueue_dma source(%dma_start3A_64 : memref<128x64xf32, #tpu.memory_space<vmem>>) target(%dma_start3A_60 : memref<128x64xf32, #tpu.memory_space<vmem_shared>>) target_semaphore(%run_scoped3A_52 : memref<!tpu.dma_semaphore, #tpu.memory_space<semaphore_mem>>)
      %dma_wait3A = arith.constant 0 : i32
      %dma_wait3A_65 = arith.constant 0 : i32
      %dma_wait3A_66 = tpu.memref_slice %arg9[%run_scoped3A_8, %dma_wait3A, %dma_wait3A_65] : memref<3x128x64xf32, #tpu.memory_space<vmem>> -> memref<1x128x64xf32, #tpu.memory_space<vmem>>
      %dma_wait3A_67 = tpu.memref_squeeze %dma_wait3A_66 : memref<1x128x64xf32, #tpu.memory_space<vmem>> -> memref<128x64xf32, #tpu.memory_space<vmem>>
      %dma_wait3A_68 = arith.constant 0 : i32
      %dma_wait3A_69 = tpu.memref_slice %arg11[%add3A_7, %dma_wait3A_68] : memref<10112x64xf32, #tpu.memory_space<vmem_shared>> -> memref<128x64xf32, #tpu.memory_space<vmem_shared>>
      %dma_wait3A_70 = arith.constant 0 : i32
      %dma_wait3A_71 = tpu.memref_slice %arg11[%add3A_7, %dma_wait3A_70] : memref<10112x64xf32, #tpu.memory_space<vmem_shared>> -> memref<128x64xf32, #tpu.memory_space<vmem_shared>>
      %dma_wait3A_72 = arith.constant 0 : i32
      %dma_wait3A_73 = arith.constant 0 : i32
      %dma_wait3A_74 = tpu.memref_slice %arg9[%run_scoped3A_8, %dma_wait3A_72, %dma_wait3A_73] : memref<3x128x64xf32, #tpu.memory_space<vmem>> -> memref<1x128x64xf32, #tpu.memory_space<vmem>>
      %dma_wait3A_75 = tpu.memref_squeeze %dma_wait3A_74 : memref<1x128x64xf32, #tpu.memory_space<vmem>> -> memref<128x64xf32, #tpu.memory_space<vmem>>
      tpu.wait_dma2 semaphore(%run_scoped3A_52 : memref<!tpu.dma_semaphore, #tpu.memory_space<semaphore_mem>>) src(%dma_wait3A_75 : memref<128x64xf32, #tpu.memory_space<vmem>>) dst(%dma_wait3A_71 : memref<128x64xf32, #tpu.memory_space<vmem_shared>>)
      tpu.yield
    }) : () -> ()
    %add3A_9 = arith.constant 256 : i32
    %add3A_10 = arith.addi %mul3A_2, %add3A_9 : i32
    %run_scoped3A_11 = arith.constant 0 : i32
    "tpu.region"() ({
      %run_scoped3A_52 = tpu.sem_alloc : memref<!tpu.dma_semaphore, #tpu.memory_space<semaphore_mem>>
      %dma_start3A_53 = arith.constant 0 : i32
      %dma_start3A_54 = arith.constant 0 : i32
      %dma_start3A_55 = tpu.memref_slice %arg9[%run_scoped3A_11, %dma_start3A_53, %dma_start3A_54] : memref<3x128x64xf32, #tpu.memory_space<vmem>> -> memref<1x128x64xf32, #tpu.memory_space<vmem>>
      %dma_start3A_56 = tpu.memref_squeeze %dma_start3A_55 : memref<1x128x64xf32, #tpu.memory_space<vmem>> -> memref<128x64xf32, #tpu.memory_space<vmem>>
      %dma_start3A_57 = arith.constant 0 : i32
      %dma_start3A_58 = tpu.memref_slice %arg11[%add3A_10, %dma_start3A_57] : memref<10112x64xf32, #tpu.memory_space<vmem_shared>> -> memref<128x64xf32, #tpu.memory_space<vmem_shared>>
      %dma_start3A_59 = arith.constant 0 : i32
      %dma_start3A_60 = tpu.memref_slice %arg11[%add3A_10, %dma_start3A_59] : memref<10112x64xf32, #tpu.memory_space<vmem_shared>> -> memref<128x64xf32, #tpu.memory_space<vmem_shared>>
      %dma_start3A_61 = arith.constant 0 : i32
      %dma_start3A_62 = arith.constant 0 : i32
      %dma_start3A_63 = tpu.memref_slice %arg9[%run_scoped3A_11, %dma_start3A_61, %dma_start3A_62] : memref<3x128x64xf32, #tpu.memory_space<vmem>> -> memref<1x128x64xf32, #tpu.memory_space<vmem>>
      %dma_start3A_64 = tpu.memref_squeeze %dma_start3A_63 : memref<1x128x64xf32, #tpu.memory_space<vmem>> -> memref<128x64xf32, #tpu.memory_space<vmem>>
      tpu.enqueue_dma source(%dma_start3A_64 : memref<128x64xf32, #tpu.memory_space<vmem>>) target(%dma_start3A_60 : memref<128x64xf32, #tpu.memory_space<vmem_shared>>) target_semaphore(%run_scoped3A_52 : memref<!tpu.dma_semaphore, #tpu.memory_space<semaphore_mem>>)
      %dma_wait3A = arith.constant 0 : i32
      %dma_wait3A_65 = arith.constant 0 : i32
      %dma_wait3A_66 = tpu.memref_slice %arg9[%run_scoped3A_11, %dma_wait3A, %dma_wait3A_65] : memref<3x128x64xf32, #tpu.memory_space<vmem>> -> memref<1x128x64xf32, #tpu.memory_space<vmem>>
      %dma_wait3A_67 = tpu.memref_squeeze %dma_wait3A_66 : memref<1x128x64xf32, #tpu.memory_space<vmem>> -> memref<128x64xf32, #tpu.memory_space<vmem>>
      %dma_wait3A_68 = arith.constant 0 : i32
      %dma_wait3A_69 = tpu.memref_slice %arg11[%add3A_10, %dma_wait3A_68] : memref<10112x64xf32, #tpu.memory_space<vmem_shared>> -> memref<128x64xf32, #tpu.memory_space<vmem_shared>>
      %dma_wait3A_70 = arith.constant 0 : i32
      %dma_wait3A_71 = tpu.memref_slice %arg11[%add3A_10, %dma_wait3A_70] : memref<10112x64xf32, #tpu.memory_space<vmem_shared>> -> memref<128x64xf32, #tpu.memory_space<vmem_shared>>
      %dma_wait3A_72 = arith.constant 0 : i32
      %dma_wait3A_73 = arith.constant 0 : i32
      %dma_wait3A_74 = tpu.memref_slice %arg9[%run_scoped3A_11, %dma_wait3A_72, %dma_wait3A_73] : memref<3x128x64xf32, #tpu.memory_space<vmem>> -> memref<1x128x64xf32, #tpu.memory_space<vmem>>
      %dma_wait3A_75 = tpu.memref_squeeze %dma_wait3A_74 : memref<1x128x64xf32, #tpu.memory_space<vmem>> -> memref<128x64xf32, #tpu.memory_space<vmem>>
      tpu.wait_dma2 semaphore(%run_scoped3A_52 : memref<!tpu.dma_semaphore, #tpu.memory_space<semaphore_mem>>) src(%dma_wait3A_75 : memref<128x64xf32, #tpu.memory_space<vmem>>) dst(%dma_wait3A_71 : memref<128x64xf32, #tpu.memory_space<vmem_shared>>)
      tpu.yield
    }) : () -> ()
    %add3A_12 = arith.constant 384 : i32
    %add3A_13 = arith.addi %mul3A_2, %add3A_12 : i32
    %run_scoped3A_14 = arith.constant 0 : i32
    "tpu.region"() ({
      %run_scoped3A_52 = tpu.sem_alloc : memref<!tpu.dma_semaphore, #tpu.memory_space<semaphore_mem>>
      %dma_start3A_53 = arith.constant 0 : i32
      %dma_start3A_54 = arith.constant 0 : i32
      %dma_start3A_55 = tpu.memref_slice %arg9[%run_scoped3A_14, %dma_start3A_53, %dma_start3A_54] : memref<3x128x64xf32, #tpu.memory_space<vmem>> -> memref<1x128x64xf32, #tpu.memory_space<vmem>>
      %dma_start3A_56 = tpu.memref_squeeze %dma_start3A_55 : memref<1x128x64xf32, #tpu.memory_space<vmem>> -> memref<128x64xf32, #tpu.memory_space<vmem>>
      %dma_start3A_57 = arith.constant 0 : i32
      %dma_start3A_58 = tpu.memref_slice %arg11[%add3A_13, %dma_start3A_57] : memref<10112x64xf32, #tpu.memory_space<vmem_shared>> -> memref<128x64xf32, #tpu.memory_space<vmem_shared>>
      %dma_start3A_59 = arith.constant 0 : i32
      %dma_start3A_60 = tpu.memref_slice %arg11[%add3A_13, %dma_start3A_59] : memref<10112x64xf32, #tpu.memory_space<vmem_shared>> -> memref<128x64xf32, #tpu.memory_space<vmem_shared>>
      %dma_start3A_61 = arith.constant 0 : i32
      %dma_start3A_62 = arith.constant 0 : i32
      %dma_start3A_63 = tpu.memref_slice %arg9[%run_scoped3A_14, %dma_start3A_61, %dma_start3A_62] : memref<3x128x64xf32, #tpu.memory_space<vmem>> -> memref<1x128x64xf32, #tpu.memory_space<vmem>>
      %dma_start3A_64 = tpu.memref_squeeze %dma_start3A_63 : memref<1x128x64xf32, #tpu.memory_space<vmem>> -> memref<128x64xf32, #tpu.memory_space<vmem>>
      tpu.enqueue_dma source(%dma_start3A_64 : memref<128x64xf32, #tpu.memory_space<vmem>>) target(%dma_start3A_60 : memref<128x64xf32, #tpu.memory_space<vmem_shared>>) target_semaphore(%run_scoped3A_52 : memref<!tpu.dma_semaphore, #tpu.memory_space<semaphore_mem>>)
      %dma_wait3A = arith.constant 0 : i32
      %dma_wait3A_65 = arith.constant 0 : i32
      %dma_wait3A_66 = tpu.memref_slice %arg9[%run_scoped3A_14, %dma_wait3A, %dma_wait3A_65] : memref<3x128x64xf32, #tpu.memory_space<vmem>> -> memref<1x128x64xf32, #tpu.memory_space<vmem>>
      %dma_wait3A_67 = tpu.memref_squeeze %dma_wait3A_66 : memref<1x128x64xf32, #tpu.memory_space<vmem>> -> memref<128x64xf32, #tpu.memory_space<vmem>>
      %dma_wait3A_68 = arith.constant 0 : i32
      %dma_wait3A_69 = tpu.memref_slice %arg11[%add3A_13, %dma_wait3A_68] : memref<10112x64xf32, #tpu.memory_space<vmem_shared>> -> memref<128x64xf32, #tpu.memory_space<vmem_shared>>
      %dma_wait3A_70 = arith.constant 0 : i32
      %dma_wait3A_71 = tpu.memref_slice %arg11[%add3A_13, %dma_wait3A_70] : memref<10112x64xf32, #tpu.memory_space<vmem_shared>> -> memref<128x64xf32, #tpu.memory_space<vmem_shared>>
      %dma_wait3A_72 = arith.constant 0 : i32
      %dma_wait3A_73 = arith.constant 0 : i32
      %dma_wait3A_74 = tpu.memref_slice %arg9[%run_scoped3A_14, %dma_wait3A_72, %dma_wait3A_73] : memref<3x128x64xf32, #tpu.memory_space<vmem>> -> memref<1x128x64xf32, #tpu.memory_space<vmem>>
      %dma_wait3A_75 = tpu.memref_squeeze %dma_wait3A_74 : memref<1x128x64xf32, #tpu.memory_space<vmem>> -> memref<128x64xf32, #tpu.memory_space<vmem>>
      tpu.wait_dma2 semaphore(%run_scoped3A_52 : memref<!tpu.dma_semaphore, #tpu.memory_space<semaphore_mem>>) src(%dma_wait3A_75 : memref<128x64xf32, #tpu.memory_space<vmem>>) dst(%dma_wait3A_71 : memref<128x64xf32, #tpu.memory_space<vmem_shared>>)
      tpu.yield
    }) : () -> ()
    %add3A_15 = arith.constant 512 : i32
    %add3A_16 = arith.addi %mul3A_2, %add3A_15 : i32
    %run_scoped3A_17 = arith.constant 0 : i32
    "tpu.region"() ({
      %run_scoped3A_52 = tpu.sem_alloc : memref<!tpu.dma_semaphore, #tpu.memory_space<semaphore_mem>>
      %dma_start3A_53 = arith.constant 0 : i32
      %dma_start3A_54 = arith.constant 0 : i32
      %dma_start3A_55 = tpu.memref_slice %arg9[%run_scoped3A_17, %dma_start3A_53, %dma_start3A_54] : memref<3x128x64xf32, #tpu.memory_space<vmem>> -> memref<1x120x64xf32, #tpu.memory_space<vmem>>
      %dma_start3A_56 = tpu.memref_squeeze %dma_start3A_55 : memref<1x120x64xf32, #tpu.memory_space<vmem>> -> memref<120x64xf32, #tpu.memory_space<vmem>>
      %dma_start3A_57 = arith.constant 0 : i32
      %dma_start3A_58 = tpu.memref_slice %arg11[%add3A_16, %dma_start3A_57] : memref<10112x64xf32, #tpu.memory_space<vmem_shared>> -> memref<120x64xf32, #tpu.memory_space<vmem_shared>>
      %dma_start3A_59 = arith.constant 0 : i32
      %dma_start3A_60 = tpu.memref_slice %arg11[%add3A_16, %dma_start3A_59] : memref<10112x64xf32, #tpu.memory_space<vmem_shared>> -> memref<120x64xf32, #tpu.memory_space<vmem_shared>>
      %dma_start3A_61 = arith.constant 0 : i32
      %dma_start3A_62 = arith.constant 0 : i32
      %dma_start3A_63 = tpu.memref_slice %arg9[%run_scoped3A_17, %dma_start3A_61, %dma_start3A_62] : memref<3x128x64xf32, #tpu.memory_space<vmem>> -> memref<1x120x64xf32, #tpu.memory_space<vmem>>
      %dma_start3A_64 = tpu.memref_squeeze %dma_start3A_63 : memref<1x120x64xf32, #tpu.memory_space<vmem>> -> memref<120x64xf32, #tpu.memory_space<vmem>>
      tpu.enqueue_dma source(%dma_start3A_64 : memref<120x64xf32, #tpu.memory_space<vmem>>) target(%dma_start3A_60 : memref<120x64xf32, #tpu.memory_space<vmem_shared>>) target_semaphore(%run_scoped3A_52 : memref<!tpu.dma_semaphore, #tpu.memory_space<semaphore_mem>>)
      %dma_wait3A = arith.constant 0 : i32
      %dma_wait3A_65 = arith.constant 0 : i32
      %dma_wait3A_66 = tpu.memref_slice %arg9[%run_scoped3A_17, %dma_wait3A, %dma_wait3A_65] : memref<3x128x64xf32, #tpu.memory_space<vmem>> -> memref<1x120x64xf32, #tpu.memory_space<vmem>>
      %dma_wait3A_67 = tpu.memref_squeeze %dma_wait3A_66 : memref<1x120x64xf32, #tpu.memory_space<vmem>> -> memref<120x64xf32, #tpu.memory_space<vmem>>
      %dma_wait3A_68 = arith.constant 0 : i32
      %dma_wait3A_69 = tpu.memref_slice %arg11[%add3A_16, %dma_wait3A_68] : memref<10112x64xf32, #tpu.memory_space<vmem_shared>> -> memref<120x64xf32, #tpu.memory_space<vmem_shared>>
      %dma_wait3A_70 = arith.constant 0 : i32
      %dma_wait3A_71 = tpu.memref_slice %arg11[%add3A_16, %dma_wait3A_70] : memref<10112x64xf32, #tpu.memory_space<vmem_shared>> -> memref<120x64xf32, #tpu.memory_space<vmem_shared>>
      %dma_wait3A_72 = arith.constant 0 : i32
      %dma_wait3A_73 = arith.constant 0 : i32
      %dma_wait3A_74 = tpu.memref_slice %arg9[%run_scoped3A_17, %dma_wait3A_72, %dma_wait3A_73] : memref<3x128x64xf32, #tpu.memory_space<vmem>> -> memref<1x120x64xf32, #tpu.memory_space<vmem>>
      %dma_wait3A_75 = tpu.memref_squeeze %dma_wait3A_74 : memref<1x120x64xf32, #tpu.memory_space<vmem>> -> memref<120x64xf32, #tpu.memory_space<vmem>>
      tpu.wait_dma2 semaphore(%run_scoped3A_52 : memref<!tpu.dma_semaphore, #tpu.memory_space<semaphore_mem>>) src(%dma_wait3A_75 : memref<120x64xf32, #tpu.memory_space<vmem>>) dst(%dma_wait3A_71 : memref<120x64xf32, #tpu.memory_space<vmem_shared>>)
      tpu.yield
    }) : () -> ()
    %barrier3A = arith.constant 0 : index
    tpu.barrier barrier_id(%barrier3A)
    %dma_start3A = arith.constant 0 : i32
    %dma_start3A_18 = arith.constant 0 : i32
    %dma_start3A_19 = arith.constant 0 : i32
    %dma_start3A_20 = arith.constant 0 : i32
    %dma_start3A_21 = arith.constant 0 : i32
    %dma_start3A_22 = tpu.memref_slice %arg9[%dma_start3A_18, %dma_start3A_20, %dma_start3A_21] : memref<3x128x64xf32, #tpu.memory_space<vmem>> -> memref<1x128x64xf32, #tpu.memory_space<vmem>>
    %dma_start3A_23 = tpu.memref_squeeze %dma_start3A_22 : memref<1x128x64xf32, #tpu.memory_space<vmem>> -> memref<128x64xf32, #tpu.memory_space<vmem>>
    %dma_start3A_24 = arith.constant 0 : i32
    %dma_start3A_25 = tpu.memref_slice %arg7[%dma_start3A, %dma_start3A_24] : memref<79x128xi32, #tpu.memory_space<vmem>> -> memref<1x128xi32, #tpu.memory_space<vmem>>
    %dma_start3A_26 = tpu.memref_squeeze %dma_start3A_25 : memref<1x128xi32, #tpu.memory_space<vmem>> -> memref<128xi32, #tpu.memory_space<vmem>>
    %dma_start3A_27 = arith.constant 0 : i32
    %dma_start3A_28 = arith.constant 0 : i32
    %dma_start3A_29 = tpu.memref_slice %arg2[%dma_start3A_27, %dma_start3A_28] : memref<10000x64xf32, #tpu.memory_space<hbm>> -> memref<10000x64xf32, #tpu.memory_space<hbm>>
    %dma_start3A_30 = tpu.memref_slice %arg12[%dma_start3A_19] : memref<3x!tpu.dma_semaphore, #tpu.memory_space<semaphore_mem>> -> memref<1x!tpu.dma_semaphore, #tpu.memory_space<semaphore_mem>>
    %dma_start3A_31 = tpu.memref_squeeze %dma_start3A_30 : memref<1x!tpu.dma_semaphore, #tpu.memory_space<semaphore_mem>> -> memref<!tpu.dma_semaphore, #tpu.memory_space<semaphore_mem>>
    tpu.enqueue_indirect_dma source(%dma_start3A_29 : memref<10000x64xf32, #tpu.memory_space<hbm>>) target(%dma_start3A_23 : memref<128x64xf32, #tpu.memory_space<vmem>>) offsets(%dma_start3A_26 : memref<128xi32, #tpu.memory_space<vmem>>) semaphore(%dma_start3A_31 : memref<!tpu.dma_semaphore, #tpu.memory_space<semaphore_mem>>)
    %dma_start3A_32 = arith.constant 1 : i32
    %dma_start3A_33 = arith.constant 1 : i32
    %dma_start3A_34 = arith.constant 1 : i32
    %dma_start3A_35 = arith.constant 0 : i32
    %dma_start3A_36 = arith.constant 0 : i32
    %dma_start3A_37 = tpu.memref_slice %arg9[%dma_start3A_33, %dma_start3A_35, %dma_start3A_36] : memref<3x128x64xf32, #tpu.memory_space<vmem>> -> memref<1x128x64xf32, #tpu.memory_space<vmem>>
    %dma_start3A_38 = tpu.memref_squeeze %dma_start3A_37 : memref<1x128x64xf32, #tpu.memory_space<vmem>> -> memref<128x64xf32, #tpu.memory_space<vmem>>
    %dma_start3A_39 = arith.constant 0 : i32
    %dma_start3A_40 = tpu.memref_slice %arg7[%dma_start3A_32, %dma_start3A_39] : memref<79x128xi32, #tpu.memory_space<vmem>> -> memref<1x128xi32, #tpu.memory_space<vmem>>
    %dma_start3A_41 = tpu.memref_squeeze %dma_start3A_40 : memref<1x128xi32, #tpu.memory_space<vmem>> -> memref<128xi32, #tpu.memory_space<vmem>>
    %dma_start3A_42 = arith.constant 0 : i32
    %dma_start3A_43 = arith.constant 0 : i32
    %dma_start3A_44 = tpu.memref_slice %arg2[%dma_start3A_42, %dma_start3A_43] : memref<10000x64xf32, #tpu.memory_space<hbm>> -> memref<10000x64xf32, #tpu.memory_space<hbm>>
    %dma_start3A_45 = tpu.memref_slice %arg12[%dma_start3A_34] : memref<3x!tpu.dma_semaphore, #tpu.memory_space<semaphore_mem>> -> memref<1x!tpu.dma_semaphore, #tpu.memory_space<semaphore_mem>>
    %dma_start3A_46 = tpu.memref_squeeze %dma_start3A_45 : memref<1x!tpu.dma_semaphore, #tpu.memory_space<semaphore_mem>> -> memref<!tpu.dma_semaphore, #tpu.memory_space<semaphore_mem>>
    tpu.enqueue_indirect_dma source(%dma_start3A_44 : memref<10000x64xf32, #tpu.memory_space<hbm>>) target(%dma_start3A_38 : memref<128x64xf32, #tpu.memory_space<vmem>>) offsets(%dma_start3A_41 : memref<128xi32, #tpu.memory_space<vmem>>) semaphore(%dma_start3A_46 : memref<!tpu.dma_semaphore, #tpu.memory_space<semaphore_mem>>)
    %scan3A = arith.constant 0 : i32
    %scan3A_47 = arith.constant 79 : i32
    %scan3A_48 = arith.addi %scan3A, %scan3A_47 : i32
    %scan3A_49 = arith.constant 1 : i32
    scf.for %scan3A_52 = %scan3A to %scan3A_48 step %scan3A_49  : i32 {
      %rem3A = arith.constant 3 : i32
      %rem3A_53 = arith.remsi %scan3A_52, %rem3A : i32
      %dma_wait3A = arith.constant 0 : i32
      %dma_wait3A_54 = arith.constant 0 : i32
      %dma_wait3A_55 = tpu.memref_slice %arg9[%rem3A_53, %dma_wait3A, %dma_wait3A_54] : memref<3x128x64xf32, #tpu.memory_space<vmem>> -> memref<1x128x64xf32, #tpu.memory_space<vmem>>
      %dma_wait3A_56 = tpu.memref_squeeze %dma_wait3A_55 : memref<1x128x64xf32, #tpu.memory_space<vmem>> -> memref<128x64xf32, #tpu.memory_space<vmem>>
      %dma_wait3A_57 = arith.constant 0 : i32
      %dma_wait3A_58 = tpu.memref_slice %arg7[%scan3A_52, %dma_wait3A_57] : memref<79x128xi32, #tpu.memory_space<vmem>> -> memref<1x128xi32, #tpu.memory_space<vmem>>
      %dma_wait3A_59 = tpu.memref_squeeze %dma_wait3A_58 : memref<1x128xi32, #tpu.memory_space<vmem>> -> memref<128xi32, #tpu.memory_space<vmem>>
      %dma_wait3A_60 = arith.constant 0 : i32
      %dma_wait3A_61 = arith.constant 0 : i32
      %dma_wait3A_62 = tpu.memref_slice %arg2[%dma_wait3A_60, %dma_wait3A_61] : memref<10000x64xf32, #tpu.memory_space<hbm>> -> memref<10000x64xf32, #tpu.memory_space<hbm>>
      %dma_wait3A_63 = tpu.memref_slice %arg12[%rem3A_53] : memref<3x!tpu.dma_semaphore, #tpu.memory_space<semaphore_mem>> -> memref<1x!tpu.dma_semaphore, #tpu.memory_space<semaphore_mem>>
      %dma_wait3A_64 = tpu.memref_squeeze %dma_wait3A_63 : memref<1x!tpu.dma_semaphore, #tpu.memory_space<semaphore_mem>> -> memref<!tpu.dma_semaphore, #tpu.memory_space<semaphore_mem>>
      tpu.wait_indirect_dma semaphore(%dma_wait3A_64 : memref<!tpu.dma_semaphore, #tpu.memory_space<semaphore_mem>>) src(%dma_wait3A_62 : memref<10000x64xf32, #tpu.memory_space<hbm>>) dst(%dma_wait3A_56 : memref<128x64xf32, #tpu.memory_space<vmem>>)
      "tpu.region"() ({
        %run_scoped3A_70 = tpu.sem_alloc : memref<!tpu.dma_semaphore, #tpu.memory_space<semaphore_mem>>
        %dma_start3A_71 = arith.constant 0 : i32
        %dma_start3A_72 = arith.constant 0 : i32
        %dma_start3A_73 = tpu.memref_slice %arg9[%rem3A_53, %dma_start3A_71, %dma_start3A_72] : memref<3x128x64xf32, #tpu.memory_space<vmem>> -> memref<1x128x64xf32, #tpu.memory_space<vmem>>
        %dma_start3A_74 = tpu.memref_squeeze %dma_start3A_73 : memref<1x128x64xf32, #tpu.memory_space<vmem>> -> memref<128x64xf32, #tpu.memory_space<vmem>>
        %dma_start3A_75 = arith.constant 0 : i32
        %dma_start3A_76 = tpu.memref_slice %arg8[%scan3A_52, %dma_start3A_75] : memref<79x128xi32, #tpu.memory_space<vmem>> -> memref<1x128xi32, #tpu.memory_space<vmem>>
        %dma_start3A_77 = tpu.memref_squeeze %dma_start3A_76 : memref<1x128xi32, #tpu.memory_space<vmem>> -> memref<128xi32, #tpu.memory_space<vmem>>
        %dma_start3A_78 = arith.constant 0 : i32
        %dma_start3A_79 = arith.constant 0 : i32
        %dma_start3A_80 = tpu.memref_slice %arg11[%dma_start3A_78, %dma_start3A_79] : memref<10112x64xf32, #tpu.memory_space<vmem_shared>> -> memref<10112x64xf32, #tpu.memory_space<vmem_shared>>
        tpu.enqueue_indirect_dma source(%dma_start3A_74 : memref<128x64xf32, #tpu.memory_space<vmem>>) target(%dma_start3A_80 : memref<10112x64xf32, #tpu.memory_space<vmem_shared>>) offsets(%dma_start3A_77 : memref<128xi32, #tpu.memory_space<vmem>>) semaphore(%run_scoped3A_70 : memref<!tpu.dma_semaphore, #tpu.memory_space<semaphore_mem>>) {add = true}
        %dma_wait3A_81 = arith.constant 0 : i32
        %dma_wait3A_82 = arith.constant 0 : i32
        %dma_wait3A_83 = tpu.memref_slice %arg9[%rem3A_53, %dma_wait3A_81, %dma_wait3A_82] : memref<3x128x64xf32, #tpu.memory_space<vmem>> -> memref<1x128x64xf32, #tpu.memory_space<vmem>>
        %dma_wait3A_84 = tpu.memref_squeeze %dma_wait3A_83 : memref<1x128x64xf32, #tpu.memory_space<vmem>> -> memref<128x64xf32, #tpu.memory_space<vmem>>
        %dma_wait3A_85 = arith.constant 0 : i32
        %dma_wait3A_86 = tpu.memref_slice %arg8[%scan3A_52, %dma_wait3A_85] : memref<79x128xi32, #tpu.memory_space<vmem>> -> memref<1x128xi32, #tpu.memory_space<vmem>>
        %dma_wait3A_87 = tpu.memref_squeeze %dma_wait3A_86 : memref<1x128xi32, #tpu.memory_space<vmem>> -> memref<128xi32, #tpu.memory_space<vmem>>
        %dma_wait3A_88 = arith.constant 0 : i32
        %dma_wait3A_89 = arith.constant 0 : i32
        %dma_wait3A_90 = tpu.memref_slice %arg11[%dma_wait3A_88, %dma_wait3A_89] : memref<10112x64xf32, #tpu.memory_space<vmem_shared>> -> memref<10112x64xf32, #tpu.memory_space<vmem_shared>>
        tpu.wait_indirect_dma semaphore(%run_scoped3A_70 : memref<!tpu.dma_semaphore, #tpu.memory_space<semaphore_mem>>) src(%dma_wait3A_84 : memref<128x64xf32, #tpu.memory_space<vmem>>) dst(%dma_wait3A_90 : memref<10112x64xf32, #tpu.memory_space<vmem_shared>>)
        tpu.yield
      }) : () -> ()
      %add3A_65 = arith.constant 3 : i32
      %add3A_66 = arith.addi %scan3A_52, %add3A_65 : i32
      %sub3A = arith.constant 1 : i32
      %sub3A_67 = arith.subi %add3A_66, %sub3A : i32
      %lt3A = arith.constant 79 : i32
      %lt3A_68 = arith.cmpi slt, %sub3A_67, %lt3A : i32
      %convert_element_type3A = arith.extui %lt3A_68 : i1 to i32
      %cond3A = arith.constant 0 : i32
      %cond3A_69 = arith.cmpi ne, %convert_element_type3A, %cond3A : i32
      scf.if %cond3A_69 {
        %rem3A_70 = arith.constant 3 : i32
        %rem3A_71 = arith.remsi %sub3A_67, %rem3A_70 : i32
        %dma_start3A_72 = arith.constant 0 : i32
        %dma_start3A_73 = arith.constant 0 : i32
        %dma_start3A_74 = tpu.memref_slice %arg9[%rem3A_71, %dma_start3A_72, %dma_start3A_73] : memref<3x128x64xf32, #tpu.memory_space<vmem>> -> memref<1x128x64xf32, #tpu.memory_space<vmem>>
        %dma_start3A_75 = tpu.memref_squeeze %dma_start3A_74 : memref<1x128x64xf32, #tpu.memory_space<vmem>> -> memref<128x64xf32, #tpu.memory_space<vmem>>
        %dma_start3A_76 = arith.constant 0 : i32
        %dma_start3A_77 = tpu.memref_slice %arg7[%sub3A_67, %dma_start3A_76] : memref<79x128xi32, #tpu.memory_space<vmem>> -> memref<1x128xi32, #tpu.memory_space<vmem>>
        %dma_start3A_78 = tpu.memref_squeeze %dma_start3A_77 : memref<1x128xi32, #tpu.memory_space<vmem>> -> memref<128xi32, #tpu.memory_space<vmem>>
        %dma_start3A_79 = arith.constant 0 : i32
        %dma_start3A_80 = arith.constant 0 : i32
        %dma_start3A_81 = tpu.memref_slice %arg2[%dma_start3A_79, %dma_start3A_80] : memref<10000x64xf32, #tpu.memory_space<hbm>> -> memref<10000x64xf32, #tpu.memory_space<hbm>>
        %dma_start3A_82 = tpu.memref_slice %arg12[%rem3A_71] : memref<3x!tpu.dma_semaphore, #tpu.memory_space<semaphore_mem>> -> memref<1x!tpu.dma_semaphore, #tpu.memory_space<semaphore_mem>>
        %dma_start3A_83 = tpu.memref_squeeze %dma_start3A_82 : memref<1x!tpu.dma_semaphore, #tpu.memory_space<semaphore_mem>> -> memref<!tpu.dma_semaphore, #tpu.memory_space<semaphore_mem>>
        tpu.enqueue_indirect_dma source(%dma_start3A_81 : memref<10000x64xf32, #tpu.memory_space<hbm>>) target(%dma_start3A_75 : memref<128x64xf32, #tpu.memory_space<vmem>>) offsets(%dma_start3A_78 : memref<128xi32, #tpu.memory_space<vmem>>) semaphore(%dma_start3A_83 : memref<!tpu.dma_semaphore, #tpu.memory_space<semaphore_mem>>)
      } else {
      }
    }
    %scan3A_50 = arith.constant 79 : i32
    %barrier3A_51 = arith.constant 0 : index
    tpu.barrier barrier_id(%barrier3A_51)
    "tpu.region"() ({
      %run_scoped3A_52 = tpu.sem_alloc : memref<!tpu.dma_semaphore, #tpu.memory_space<semaphore_mem>>
      %dma_start3A_53 = arith.constant 0 : i32
      %dma_start3A_54 = tpu.memref_slice %arg11[%mul3A_2, %dma_start3A_53] : memref<10112x64xf32, #tpu.memory_space<vmem_shared>> -> memref<632x64xf32, #tpu.memory_space<vmem_shared>>
      %dma_start3A_55 = arith.constant 0 : i32
      %dma_start3A_56 = tpu.memref_slice %arg11[%mul3A_2, %dma_start3A_55] : memref<10112x64xf32, #tpu.memory_space<vmem_shared>> -> memref<632x64xf32, #tpu.memory_space<vmem_shared>>
      tpu.enqueue_dma source(%dma_start3A_56 : memref<632x64xf32, #tpu.memory_space<vmem_shared>>) target(%arg10 : memref<632x64xf32, #tpu.memory_space<vmem>>) target_semaphore(%run_scoped3A_52 : memref<!tpu.dma_semaphore, #tpu.memory_space<semaphore_mem>>)
      %dma_wait3A = arith.constant 0 : i32
      %dma_wait3A_57 = tpu.memref_slice %arg11[%mul3A_2, %dma_wait3A] : memref<10112x64xf32, #tpu.memory_space<vmem_shared>> -> memref<632x64xf32, #tpu.memory_space<vmem_shared>>
      %dma_wait3A_58 = arith.constant 0 : i32
      %dma_wait3A_59 = tpu.memref_slice %arg11[%mul3A_2, %dma_wait3A_58] : memref<10112x64xf32, #tpu.memory_space<vmem_shared>> -> memref<632x64xf32, #tpu.memory_space<vmem_shared>>
      tpu.wait_dma2 semaphore(%run_scoped3A_52 : memref<!tpu.dma_semaphore, #tpu.memory_space<semaphore_mem>>) src(%dma_wait3A_59 : memref<632x64xf32, #tpu.memory_space<vmem_shared>>) dst(%arg10 : memref<632x64xf32, #tpu.memory_space<vmem>>)
      tpu.yield
    }) : () -> ()
    "tpu.region"() ({
      %run_scoped3A_52 = tpu.sem_alloc : memref<!tpu.dma_semaphore, #tpu.memory_space<semaphore_mem>>
      %dma_start3A_53 = arith.constant 0 : i32
      %dma_start3A_54 = tpu.memref_slice %arg6[%arg0, %mul3A_2, %dma_start3A_53] : memref<2x10112x64xf32, #tpu.memory_space<hbm>> -> memref<1x632x64xf32, #tpu.memory_space<hbm>>
      %dma_start3A_55 = tpu.memref_squeeze %dma_start3A_54 : memref<1x632x64xf32, #tpu.memory_space<hbm>> -> memref<632x64xf32, #tpu.memory_space<hbm>>
      %dma_start3A_56 = arith.constant 0 : i32
      %dma_start3A_57 = tpu.memref_slice %arg6[%arg0, %mul3A_2, %dma_start3A_56] : memref<2x10112x64xf32, #tpu.memory_space<hbm>> -> memref<1x632x64xf32, #tpu.memory_space<hbm>>
      %dma_start3A_58 = tpu.memref_squeeze %dma_start3A_57 : memref<1x632x64xf32, #tpu.memory_space<hbm>> -> memref<632x64xf32, #tpu.memory_space<hbm>>
      tpu.enqueue_dma source(%arg10 : memref<632x64xf32, #tpu.memory_space<vmem>>) target(%dma_start3A_58 : memref<632x64xf32, #tpu.memory_space<hbm>>) target_semaphore(%run_scoped3A_52 : memref<!tpu.dma_semaphore, #tpu.memory_space<semaphore_mem>>)
      %dma_wait3A = arith.constant 0 : i32
      %dma_wait3A_59 = tpu.memref_slice %arg6[%arg0, %mul3A_2, %dma_wait3A] : memref<2x10112x64xf32, #tpu.memory_space<hbm>> -> memref<1x632x64xf32, #tpu.memory_space<hbm>>
      %dma_wait3A_60 = tpu.memref_squeeze %dma_wait3A_59 : memref<1x632x64xf32, #tpu.memory_space<hbm>> -> memref<632x64xf32, #tpu.memory_space<hbm>>
      %dma_wait3A_61 = arith.constant 0 : i32
      %dma_wait3A_62 = tpu.memref_slice %arg6[%arg0, %mul3A_2, %dma_wait3A_61] : memref<2x10112x64xf32, #tpu.memory_space<hbm>> -> memref<1x632x64xf32, #tpu.memory_space<hbm>>
      %dma_wait3A_63 = tpu.memref_squeeze %dma_wait3A_62 : memref<1x632x64xf32, #tpu.memory_space<hbm>> -> memref<632x64xf32, #tpu.memory_space<hbm>>
      tpu.wait_dma2 semaphore(%run_scoped3A_52 : memref<!tpu.dma_semaphore, #tpu.memory_space<semaphore_mem>>) src(%arg10 : memref<632x64xf32, #tpu.memory_space<vmem>>) dst(%dma_wait3A_63 : memref<632x64xf32, #tpu.memory_space<hbm>>)
      tpu.yield
    }) : () -> ()
    return
  }
}

#map = affine_map<(d0, d1) -> (0, 0, 0)>
#map1 = affine_map<(d0, d1) -> (0, 0)>
module attributes {stable_mosaic.version = 14 : i64} {
  func.func @_deg_body(%arg0: i32, %arg1: i32, %arg2: memref<32x79x128xi32, #tpu.memory_space<hbm>>, %arg3: memref<128x8xf32, #tpu.memory_space<hbm>>, %arg4: memref<632x8xf32, #tpu.memory_space<hbm>>, %arg5: memref<2x10112x8xf32, #tpu.memory_space<hbm>>, %arg6: memref<79x128xi32, #tpu.memory_space<vmem>>, %arg7: memref<128x8xf32, #tpu.memory_space<vmem>>, %arg8: memref<632x8xf32, #tpu.memory_space<vmem>>, %arg9: memref<10112x8xf32, #tpu.memory_space<vmem_shared>>) attributes {dimension_semantics = [#tpu.dimension_semantics<core_parallel>, #tpu.dimension_semantics<subcore_parallel>], iteration_bounds = array<i64: 2, 16>, scalar_prefetch = 0 : i64, scratch_operands = 4 : i64, tpu.core_type = #tpu.core_type<sc_vector_subcore>, window_params = [{transform_indices = #map}, {transform_indices = #map1}, {transform_indices = #map1}, {transform_indices = #map}]} {
    %mul3A = arith.constant 2 : i32
    %mul3A_0 = arith.muli %arg1, %mul3A : i32
    %add3A = arith.addi %mul3A_0, %arg0 : i32
    %mul3A_1 = arith.constant 632 : i32
    %mul3A_2 = arith.muli %arg1, %mul3A_1 : i32
    "tpu.region"() ({
      %run_scoped3A = tpu.sem_alloc : memref<!tpu.dma_semaphore, #tpu.memory_space<semaphore_mem>>
      %dma_start3A = arith.constant 0 : i32
      %dma_start3A_8 = arith.constant 0 : i32
      %dma_start3A_9 = tpu.memref_slice %arg2[%add3A, %dma_start3A, %dma_start3A_8] : memref<32x79x128xi32, #tpu.memory_space<hbm>> -> memref<1x79x128xi32, #tpu.memory_space<hbm>>
      %dma_start3A_10 = tpu.memref_squeeze %dma_start3A_9 : memref<1x79x128xi32, #tpu.memory_space<hbm>> -> memref<79x128xi32, #tpu.memory_space<hbm>>
      %dma_start3A_11 = arith.constant 0 : i32
      %dma_start3A_12 = arith.constant 0 : i32
      %dma_start3A_13 = tpu.memref_slice %arg2[%add3A, %dma_start3A_11, %dma_start3A_12] : memref<32x79x128xi32, #tpu.memory_space<hbm>> -> memref<1x79x128xi32, #tpu.memory_space<hbm>>
      %dma_start3A_14 = tpu.memref_squeeze %dma_start3A_13 : memref<1x79x128xi32, #tpu.memory_space<hbm>> -> memref<79x128xi32, #tpu.memory_space<hbm>>
      tpu.enqueue_dma source(%dma_start3A_14 : memref<79x128xi32, #tpu.memory_space<hbm>>) target(%arg6 : memref<79x128xi32, #tpu.memory_space<vmem>>) target_semaphore(%run_scoped3A : memref<!tpu.dma_semaphore, #tpu.memory_space<semaphore_mem>>)
      %dma_wait3A = arith.constant 0 : i32
      %dma_wait3A_15 = arith.constant 0 : i32
      %dma_wait3A_16 = tpu.memref_slice %arg2[%add3A, %dma_wait3A, %dma_wait3A_15] : memref<32x79x128xi32, #tpu.memory_space<hbm>> -> memref<1x79x128xi32, #tpu.memory_space<hbm>>
      %dma_wait3A_17 = tpu.memref_squeeze %dma_wait3A_16 : memref<1x79x128xi32, #tpu.memory_space<hbm>> -> memref<79x128xi32, #tpu.memory_space<hbm>>
      %dma_wait3A_18 = arith.constant 0 : i32
      %dma_wait3A_19 = arith.constant 0 : i32
      %dma_wait3A_20 = tpu.memref_slice %arg2[%add3A, %dma_wait3A_18, %dma_wait3A_19] : memref<32x79x128xi32, #tpu.memory_space<hbm>> -> memref<1x79x128xi32, #tpu.memory_space<hbm>>
      %dma_wait3A_21 = tpu.memref_squeeze %dma_wait3A_20 : memref<1x79x128xi32, #tpu.memory_space<hbm>> -> memref<79x128xi32, #tpu.memory_space<hbm>>
      tpu.wait_dma2 semaphore(%run_scoped3A : memref<!tpu.dma_semaphore, #tpu.memory_space<semaphore_mem>>) src(%dma_wait3A_21 : memref<79x128xi32, #tpu.memory_space<hbm>>) dst(%arg6 : memref<79x128xi32, #tpu.memory_space<vmem>>)
      tpu.yield
    }) : () -> ()
    "tpu.region"() ({
      %run_scoped3A = tpu.sem_alloc : memref<!tpu.dma_semaphore, #tpu.memory_space<semaphore_mem>>
      tpu.enqueue_dma source(%arg3 : memref<128x8xf32, #tpu.memory_space<hbm>>) target(%arg7 : memref<128x8xf32, #tpu.memory_space<vmem>>) target_semaphore(%run_scoped3A : memref<!tpu.dma_semaphore, #tpu.memory_space<semaphore_mem>>)
      tpu.wait_dma2 semaphore(%run_scoped3A : memref<!tpu.dma_semaphore, #tpu.memory_space<semaphore_mem>>) src(%arg3 : memref<128x8xf32, #tpu.memory_space<hbm>>) dst(%arg7 : memref<128x8xf32, #tpu.memory_space<vmem>>)
      tpu.yield
    }) : () -> ()
    "tpu.region"() ({
      %run_scoped3A = tpu.sem_alloc : memref<!tpu.dma_semaphore, #tpu.memory_space<semaphore_mem>>
      tpu.enqueue_dma source(%arg4 : memref<632x8xf32, #tpu.memory_space<hbm>>) target(%arg8 : memref<632x8xf32, #tpu.memory_space<vmem>>) target_semaphore(%run_scoped3A : memref<!tpu.dma_semaphore, #tpu.memory_space<semaphore_mem>>)
      tpu.wait_dma2 semaphore(%run_scoped3A : memref<!tpu.dma_semaphore, #tpu.memory_space<semaphore_mem>>) src(%arg4 : memref<632x8xf32, #tpu.memory_space<hbm>>) dst(%arg8 : memref<632x8xf32, #tpu.memory_space<vmem>>)
      tpu.yield
    }) : () -> ()
    "tpu.region"() ({
      %run_scoped3A = tpu.sem_alloc : memref<!tpu.dma_semaphore, #tpu.memory_space<semaphore_mem>>
      %dma_start3A = arith.constant 0 : i32
      %dma_start3A_8 = tpu.memref_slice %arg9[%mul3A_2, %dma_start3A] : memref<10112x8xf32, #tpu.memory_space<vmem_shared>> -> memref<632x8xf32, #tpu.memory_space<vmem_shared>>
      %dma_start3A_9 = arith.constant 0 : i32
      %dma_start3A_10 = tpu.memref_slice %arg9[%mul3A_2, %dma_start3A_9] : memref<10112x8xf32, #tpu.memory_space<vmem_shared>> -> memref<632x8xf32, #tpu.memory_space<vmem_shared>>
      tpu.enqueue_dma source(%arg8 : memref<632x8xf32, #tpu.memory_space<vmem>>) target(%dma_start3A_10 : memref<632x8xf32, #tpu.memory_space<vmem_shared>>) target_semaphore(%run_scoped3A : memref<!tpu.dma_semaphore, #tpu.memory_space<semaphore_mem>>)
      %dma_wait3A = arith.constant 0 : i32
      %dma_wait3A_11 = tpu.memref_slice %arg9[%mul3A_2, %dma_wait3A] : memref<10112x8xf32, #tpu.memory_space<vmem_shared>> -> memref<632x8xf32, #tpu.memory_space<vmem_shared>>
      %dma_wait3A_12 = arith.constant 0 : i32
      %dma_wait3A_13 = tpu.memref_slice %arg9[%mul3A_2, %dma_wait3A_12] : memref<10112x8xf32, #tpu.memory_space<vmem_shared>> -> memref<632x8xf32, #tpu.memory_space<vmem_shared>>
      tpu.wait_dma2 semaphore(%run_scoped3A : memref<!tpu.dma_semaphore, #tpu.memory_space<semaphore_mem>>) src(%arg8 : memref<632x8xf32, #tpu.memory_space<vmem>>) dst(%dma_wait3A_13 : memref<632x8xf32, #tpu.memory_space<vmem_shared>>)
      tpu.yield
    }) : () -> ()
    %barrier3A = arith.constant 0 : index
    tpu.barrier barrier_id(%barrier3A)
    %scan3A = arith.constant 0 : i32
    %scan3A_3 = arith.constant 79 : i32
    %scan3A_4 = arith.addi %scan3A, %scan3A_3 : i32
    %scan3A_5 = arith.constant 1 : i32
    scf.for %scan3A_8 = %scan3A to %scan3A_4 step %scan3A_5  : i32 {
      "tpu.region"() ({
        %run_scoped3A = tpu.sem_alloc : memref<!tpu.dma_semaphore, #tpu.memory_space<semaphore_mem>>
        %dma_start3A = arith.constant 0 : i32
        %dma_start3A_9 = tpu.memref_slice %arg6[%scan3A_8, %dma_start3A] : memref<79x128xi32, #tpu.memory_space<vmem>> -> memref<1x128xi32, #tpu.memory_space<vmem>>
        %dma_start3A_10 = tpu.memref_squeeze %dma_start3A_9 : memref<1x128xi32, #tpu.memory_space<vmem>> -> memref<128xi32, #tpu.memory_space<vmem>>
        %dma_start3A_11 = arith.constant 0 : i32
        %dma_start3A_12 = arith.constant 0 : i32
        %dma_start3A_13 = tpu.memref_slice %arg9[%dma_start3A_11, %dma_start3A_12] : memref<10112x8xf32, #tpu.memory_space<vmem_shared>> -> memref<10112x8xf32, #tpu.memory_space<vmem_shared>>
        tpu.enqueue_indirect_dma source(%arg7 : memref<128x8xf32, #tpu.memory_space<vmem>>) target(%dma_start3A_13 : memref<10112x8xf32, #tpu.memory_space<vmem_shared>>) offsets(%dma_start3A_10 : memref<128xi32, #tpu.memory_space<vmem>>) semaphore(%run_scoped3A : memref<!tpu.dma_semaphore, #tpu.memory_space<semaphore_mem>>) {add = true}
        %dma_wait3A = arith.constant 0 : i32
        %dma_wait3A_14 = tpu.memref_slice %arg6[%scan3A_8, %dma_wait3A] : memref<79x128xi32, #tpu.memory_space<vmem>> -> memref<1x128xi32, #tpu.memory_space<vmem>>
        %dma_wait3A_15 = tpu.memref_squeeze %dma_wait3A_14 : memref<1x128xi32, #tpu.memory_space<vmem>> -> memref<128xi32, #tpu.memory_space<vmem>>
        %dma_wait3A_16 = arith.constant 0 : i32
        %dma_wait3A_17 = arith.constant 0 : i32
        %dma_wait3A_18 = tpu.memref_slice %arg9[%dma_wait3A_16, %dma_wait3A_17] : memref<10112x8xf32, #tpu.memory_space<vmem_shared>> -> memref<10112x8xf32, #tpu.memory_space<vmem_shared>>
        tpu.wait_indirect_dma semaphore(%run_scoped3A : memref<!tpu.dma_semaphore, #tpu.memory_space<semaphore_mem>>) src(%arg7 : memref<128x8xf32, #tpu.memory_space<vmem>>) dst(%dma_wait3A_18 : memref<10112x8xf32, #tpu.memory_space<vmem_shared>>)
        tpu.yield
      }) : () -> ()
    }
    %scan3A_6 = arith.constant 79 : i32
    %barrier3A_7 = arith.constant 0 : index
    tpu.barrier barrier_id(%barrier3A_7)
    "tpu.region"() ({
      %run_scoped3A = tpu.sem_alloc : memref<!tpu.dma_semaphore, #tpu.memory_space<semaphore_mem>>
      %dma_start3A = arith.constant 0 : i32
      %dma_start3A_8 = tpu.memref_slice %arg9[%mul3A_2, %dma_start3A] : memref<10112x8xf32, #tpu.memory_space<vmem_shared>> -> memref<632x8xf32, #tpu.memory_space<vmem_shared>>
      %dma_start3A_9 = arith.constant 0 : i32
      %dma_start3A_10 = tpu.memref_slice %arg9[%mul3A_2, %dma_start3A_9] : memref<10112x8xf32, #tpu.memory_space<vmem_shared>> -> memref<632x8xf32, #tpu.memory_space<vmem_shared>>
      tpu.enqueue_dma source(%dma_start3A_10 : memref<632x8xf32, #tpu.memory_space<vmem_shared>>) target(%arg8 : memref<632x8xf32, #tpu.memory_space<vmem>>) target_semaphore(%run_scoped3A : memref<!tpu.dma_semaphore, #tpu.memory_space<semaphore_mem>>)
      %dma_wait3A = arith.constant 0 : i32
      %dma_wait3A_11 = tpu.memref_slice %arg9[%mul3A_2, %dma_wait3A] : memref<10112x8xf32, #tpu.memory_space<vmem_shared>> -> memref<632x8xf32, #tpu.memory_space<vmem_shared>>
      %dma_wait3A_12 = arith.constant 0 : i32
      %dma_wait3A_13 = tpu.memref_slice %arg9[%mul3A_2, %dma_wait3A_12] : memref<10112x8xf32, #tpu.memory_space<vmem_shared>> -> memref<632x8xf32, #tpu.memory_space<vmem_shared>>
      tpu.wait_dma2 semaphore(%run_scoped3A : memref<!tpu.dma_semaphore, #tpu.memory_space<semaphore_mem>>) src(%dma_wait3A_13 : memref<632x8xf32, #tpu.memory_space<vmem_shared>>) dst(%arg8 : memref<632x8xf32, #tpu.memory_space<vmem>>)
      tpu.yield
    }) : () -> ()
    "tpu.region"() ({
      %run_scoped3A = tpu.sem_alloc : memref<!tpu.dma_semaphore, #tpu.memory_space<semaphore_mem>>
      %dma_start3A = arith.constant 0 : i32
      %dma_start3A_8 = tpu.memref_slice %arg5[%arg0, %mul3A_2, %dma_start3A] : memref<2x10112x8xf32, #tpu.memory_space<hbm>> -> memref<1x632x8xf32, #tpu.memory_space<hbm>>
      %dma_start3A_9 = tpu.memref_squeeze %dma_start3A_8 : memref<1x632x8xf32, #tpu.memory_space<hbm>> -> memref<632x8xf32, #tpu.memory_space<hbm>>
      %dma_start3A_10 = arith.constant 0 : i32
      %dma_start3A_11 = tpu.memref_slice %arg5[%arg0, %mul3A_2, %dma_start3A_10] : memref<2x10112x8xf32, #tpu.memory_space<hbm>> -> memref<1x632x8xf32, #tpu.memory_space<hbm>>
      %dma_start3A_12 = tpu.memref_squeeze %dma_start3A_11 : memref<1x632x8xf32, #tpu.memory_space<hbm>> -> memref<632x8xf32, #tpu.memory_space<hbm>>
      tpu.enqueue_dma source(%arg8 : memref<632x8xf32, #tpu.memory_space<vmem>>) target(%dma_start3A_12 : memref<632x8xf32, #tpu.memory_space<hbm>>) target_semaphore(%run_scoped3A : memref<!tpu.dma_semaphore, #tpu.memory_space<semaphore_mem>>)
      %dma_wait3A = arith.constant 0 : i32
      %dma_wait3A_13 = tpu.memref_slice %arg5[%arg0, %mul3A_2, %dma_wait3A] : memref<2x10112x8xf32, #tpu.memory_space<hbm>> -> memref<1x632x8xf32, #tpu.memory_space<hbm>>
      %dma_wait3A_14 = tpu.memref_squeeze %dma_wait3A_13 : memref<1x632x8xf32, #tpu.memory_space<hbm>> -> memref<632x8xf32, #tpu.memory_space<hbm>>
      %dma_wait3A_15 = arith.constant 0 : i32
      %dma_wait3A_16 = tpu.memref_slice %arg5[%arg0, %mul3A_2, %dma_wait3A_15] : memref<2x10112x8xf32, #tpu.memory_space<hbm>> -> memref<1x632x8xf32, #tpu.memory_space<hbm>>
      %dma_wait3A_17 = tpu.memref_squeeze %dma_wait3A_16 : memref<1x632x8xf32, #tpu.memory_space<hbm>> -> memref<632x8xf32, #tpu.memory_space<hbm>>
      tpu.wait_dma2 semaphore(%run_scoped3A : memref<!tpu.dma_semaphore, #tpu.memory_space<semaphore_mem>>) src(%arg8 : memref<632x8xf32, #tpu.memory_space<vmem>>) dst(%dma_wait3A_17 : memref<632x8xf32, #tpu.memory_space<hbm>>)
      tpu.yield
    }) : () -> ()
    return
  }
}

#map = affine_map<(d0, d1) -> (0, 0)>
#map1 = affine_map<(d0, d1) -> (0, 0, 0)>
module attributes {stable_mosaic.version = 14 : i64} {
  func.func @_agg_body(%arg0: i32, %arg1: i32, %arg2: memref<10000x64xf32, #tpu.memory_space<hbm>>, %arg3: memref<32x79x128xi32, #tpu.memory_space<hbm>>, %arg4: memref<32x79x128xi32, #tpu.memory_space<hbm>>, %arg5: memref<128x64xf32, #tpu.memory_space<hbm>>, %arg6: memref<2x10112x64xf32, #tpu.memory_space<hbm>>, %arg7: memref<79x128xi32, #tpu.memory_space<vmem>>, %arg8: memref<79x128xi32, #tpu.memory_space<vmem>>, %arg9: memref<3x128x64xf32, #tpu.memory_space<vmem>>, %arg10: memref<632x64xf32, #tpu.memory_space<vmem>>, %arg11: memref<10112x64xf32, #tpu.memory_space<vmem_shared>>, %arg12: memref<3x!tpu.dma_semaphore, #tpu.memory_space<semaphore_mem>>) attributes {dimension_semantics = [#tpu.dimension_semantics<core_parallel>, #tpu.dimension_semantics<subcore_parallel>], iteration_bounds = array<i64: 2, 16>, scalar_prefetch = 0 : i64, scratch_operands = 6 : i64, tpu.core_type = #tpu.core_type<sc_vector_subcore>, window_params = [{transform_indices = #map}, {transform_indices = #map1}, {transform_indices = #map1}, {transform_indices = #map}, {transform_indices = #map1}]} {
    %mul3A = arith.constant 2 : i32
    %mul3A_0 = arith.muli %arg1, %mul3A : i32
    %add3A = arith.addi %mul3A_0, %arg0 : i32
    %mul3A_1 = arith.constant 632 : i32
    %mul3A_2 = arith.muli %arg1, %mul3A_1 : i32
    "tpu.region"() ({
      %run_scoped3A_52 = tpu.sem_alloc : memref<!tpu.dma_semaphore, #tpu.memory_space<semaphore_mem>>
      %dma_start3A_53 = arith.constant 0 : i32
      %dma_start3A_54 = arith.constant 0 : i32
      %dma_start3A_55 = tpu.memref_slice %arg3[%add3A, %dma_start3A_53, %dma_start3A_54] : memref<32x79x128xi32, #tpu.memory_space<hbm>> -> memref<1x79x128xi32, #tpu.memory_space<hbm>>
      %dma_start3A_56 = tpu.memref_squeeze %dma_start3A_55 : memref<1x79x128xi32, #tpu.memory_space<hbm>> -> memref<79x128xi32, #tpu.memory_space<hbm>>
      %dma_start3A_57 = arith.constant 0 : i32
      %dma_start3A_58 = arith.constant 0 : i32
      %dma_start3A_59 = tpu.memref_slice %arg3[%add3A, %dma_start3A_57, %dma_start3A_58] : memref<32x79x128xi32, #tpu.memory_space<hbm>> -> memref<1x79x128xi32, #tpu.memory_space<hbm>>
      %dma_start3A_60 = tpu.memref_squeeze %dma_start3A_59 : memref<1x79x128xi32, #tpu.memory_space<hbm>> -> memref<79x128xi32, #tpu.memory_space<hbm>>
      tpu.enqueue_dma source(%dma_start3A_60 : memref<79x128xi32, #tpu.memory_space<hbm>>) target(%arg7 : memref<79x128xi32, #tpu.memory_space<vmem>>) target_semaphore(%run_scoped3A_52 : memref<!tpu.dma_semaphore, #tpu.memory_space<semaphore_mem>>)
      %dma_wait3A = arith.constant 0 : i32
      %dma_wait3A_61 = arith.constant 0 : i32
      %dma_wait3A_62 = tpu.memref_slice %arg3[%add3A, %dma_wait3A, %dma_wait3A_61] : memref<32x79x128xi32, #tpu.memory_space<hbm>> -> memref<1x79x128xi32, #tpu.memory_space<hbm>>
      %dma_wait3A_63 = tpu.memref_squeeze %dma_wait3A_62 : memref<1x79x128xi32, #tpu.memory_space<hbm>> -> memref<79x128xi32, #tpu.memory_space<hbm>>
      %dma_wait3A_64 = arith.constant 0 : i32
      %dma_wait3A_65 = arith.constant 0 : i32
      %dma_wait3A_66 = tpu.memref_slice %arg3[%add3A, %dma_wait3A_64, %dma_wait3A_65] : memref<32x79x128xi32, #tpu.memory_space<hbm>> -> memref<1x79x128xi32, #tpu.memory_space<hbm>>
      %dma_wait3A_67 = tpu.memref_squeeze %dma_wait3A_66 : memref<1x79x128xi32, #tpu.memory_space<hbm>> -> memref<79x128xi32, #tpu.memory_space<hbm>>
      tpu.wait_dma2 semaphore(%run_scoped3A_52 : memref<!tpu.dma_semaphore, #tpu.memory_space<semaphore_mem>>) src(%dma_wait3A_67 : memref<79x128xi32, #tpu.memory_space<hbm>>) dst(%arg7 : memref<79x128xi32, #tpu.memory_space<vmem>>)
      tpu.yield
    }) : () -> ()
    "tpu.region"() ({
      %run_scoped3A_52 = tpu.sem_alloc : memref<!tpu.dma_semaphore, #tpu.memory_space<semaphore_mem>>
      %dma_start3A_53 = arith.constant 0 : i32
      %dma_start3A_54 = arith.constant 0 : i32
      %dma_start3A_55 = tpu.memref_slice %arg4[%add3A, %dma_start3A_53, %dma_start3A_54] : memref<32x79x128xi32, #tpu.memory_space<hbm>> -> memref<1x79x128xi32, #tpu.memory_space<hbm>>
      %dma_start3A_56 = tpu.memref_squeeze %dma_start3A_55 : memref<1x79x128xi32, #tpu.memory_space<hbm>> -> memref<79x128xi32, #tpu.memory_space<hbm>>
      %dma_start3A_57 = arith.constant 0 : i32
      %dma_start3A_58 = arith.constant 0 : i32
      %dma_start3A_59 = tpu.memref_slice %arg4[%add3A, %dma_start3A_57, %dma_start3A_58] : memref<32x79x128xi32, #tpu.memory_space<hbm>> -> memref<1x79x128xi32, #tpu.memory_space<hbm>>
      %dma_start3A_60 = tpu.memref_squeeze %dma_start3A_59 : memref<1x79x128xi32, #tpu.memory_space<hbm>> -> memref<79x128xi32, #tpu.memory_space<hbm>>
      tpu.enqueue_dma source(%dma_start3A_60 : memref<79x128xi32, #tpu.memory_space<hbm>>) target(%arg8 : memref<79x128xi32, #tpu.memory_space<vmem>>) target_semaphore(%run_scoped3A_52 : memref<!tpu.dma_semaphore, #tpu.memory_space<semaphore_mem>>)
      %dma_wait3A = arith.constant 0 : i32
      %dma_wait3A_61 = arith.constant 0 : i32
      %dma_wait3A_62 = tpu.memref_slice %arg4[%add3A, %dma_wait3A, %dma_wait3A_61] : memref<32x79x128xi32, #tpu.memory_space<hbm>> -> memref<1x79x128xi32, #tpu.memory_space<hbm>>
      %dma_wait3A_63 = tpu.memref_squeeze %dma_wait3A_62 : memref<1x79x128xi32, #tpu.memory_space<hbm>> -> memref<79x128xi32, #tpu.memory_space<hbm>>
      %dma_wait3A_64 = arith.constant 0 : i32
      %dma_wait3A_65 = arith.constant 0 : i32
      %dma_wait3A_66 = tpu.memref_slice %arg4[%add3A, %dma_wait3A_64, %dma_wait3A_65] : memref<32x79x128xi32, #tpu.memory_space<hbm>> -> memref<1x79x128xi32, #tpu.memory_space<hbm>>
      %dma_wait3A_67 = tpu.memref_squeeze %dma_wait3A_66 : memref<1x79x128xi32, #tpu.memory_space<hbm>> -> memref<79x128xi32, #tpu.memory_space<hbm>>
      tpu.wait_dma2 semaphore(%run_scoped3A_52 : memref<!tpu.dma_semaphore, #tpu.memory_space<semaphore_mem>>) src(%dma_wait3A_67 : memref<79x128xi32, #tpu.memory_space<hbm>>) dst(%arg8 : memref<79x128xi32, #tpu.memory_space<vmem>>)
      tpu.yield
    }) : () -> ()
    %run_scoped3A = arith.constant 0 : i32
    "tpu.region"() ({
      %run_scoped3A_52 = tpu.sem_alloc : memref<!tpu.dma_semaphore, #tpu.memory_space<semaphore_mem>>
      %dma_start3A_53 = arith.constant 0 : i32
      %dma_start3A_54 = arith.constant 0 : i32
      %dma_start3A_55 = tpu.memref_slice %arg9[%run_scoped3A, %dma_start3A_53, %dma_start3A_54] : memref<3x128x64xf32, #tpu.memory_space<vmem>> -> memref<1x128x64xf32, #tpu.memory_space<vmem>>
      %dma_start3A_56 = tpu.memref_squeeze %dma_start3A_55 : memref<1x128x64xf32, #tpu.memory_space<vmem>> -> memref<128x64xf32, #tpu.memory_space<vmem>>
      %dma_start3A_57 = arith.constant 0 : i32
      %dma_start3A_58 = arith.constant 0 : i32
      %dma_start3A_59 = tpu.memref_slice %arg9[%run_scoped3A, %dma_start3A_57, %dma_start3A_58] : memref<3x128x64xf32, #tpu.memory_space<vmem>> -> memref<1x128x64xf32, #tpu.memory_space<vmem>>
      %dma_start3A_60 = tpu.memref_squeeze %dma_start3A_59 : memref<1x128x64xf32, #tpu.memory_space<vmem>> -> memref<128x64xf32, #tpu.memory_space<vmem>>
      tpu.enqueue_dma source(%arg5 : memref<128x64xf32, #tpu.memory_space<hbm>>) target(%dma_start3A_60 : memref<128x64xf32, #tpu.memory_space<vmem>>) target_semaphore(%run_scoped3A_52 : memref<!tpu.dma_semaphore, #tpu.memory_space<semaphore_mem>>)
      %dma_wait3A = arith.constant 0 : i32
      %dma_wait3A_61 = arith.constant 0 : i32
      %dma_wait3A_62 = tpu.memref_slice %arg9[%run_scoped3A, %dma_wait3A, %dma_wait3A_61] : memref<3x128x64xf32, #tpu.memory_space<vmem>> -> memref<1x128x64xf32, #tpu.memory_space<vmem>>
      %dma_wait3A_63 = tpu.memref_squeeze %dma_wait3A_62 : memref<1x128x64xf32, #tpu.memory_space<vmem>> -> memref<128x64xf32, #tpu.memory_space<vmem>>
      %dma_wait3A_64 = arith.constant 0 : i32
      %dma_wait3A_65 = arith.constant 0 : i32
      %dma_wait3A_66 = tpu.memref_slice %arg9[%run_scoped3A, %dma_wait3A_64, %dma_wait3A_65] : memref<3x128x64xf32, #tpu.memory_space<vmem>> -> memref<1x128x64xf32, #tpu.memory_space<vmem>>
      %dma_wait3A_67 = tpu.memref_squeeze %dma_wait3A_66 : memref<1x128x64xf32, #tpu.memory_space<vmem>> -> memref<128x64xf32, #tpu.memory_space<vmem>>
      tpu.wait_dma2 semaphore(%run_scoped3A_52 : memref<!tpu.dma_semaphore, #tpu.memory_space<semaphore_mem>>) src(%arg5 : memref<128x64xf32, #tpu.memory_space<hbm>>) dst(%dma_wait3A_67 : memref<128x64xf32, #tpu.memory_space<vmem>>)
      tpu.yield
    }) : () -> ()
    %add3A_3 = arith.constant 0 : i32
    %add3A_4 = arith.addi %mul3A_2, %add3A_3 : i32
    %run_scoped3A_5 = arith.constant 0 : i32
    "tpu.region"() ({
      %run_scoped3A_52 = tpu.sem_alloc : memref<!tpu.dma_semaphore, #tpu.memory_space<semaphore_mem>>
      %dma_start3A_53 = arith.constant 0 : i32
      %dma_start3A_54 = arith.constant 0 : i32
      %dma_start3A_55 = tpu.memref_slice %arg9[%run_scoped3A_5, %dma_start3A_53, %dma_start3A_54] : memref<3x128x64xf32, #tpu.memory_space<vmem>> -> memref<1x128x64xf32, #tpu.memory_space<vmem>>
      %dma_start3A_56 = tpu.memref_squeeze %dma_start3A_55 : memref<1x128x64xf32, #tpu.memory_space<vmem>> -> memref<128x64xf32, #tpu.memory_space<vmem>>
      %dma_start3A_57 = arith.constant 0 : i32
      %dma_start3A_58 = tpu.memref_slice %arg11[%add3A_4, %dma_start3A_57] : memref<10112x64xf32, #tpu.memory_space<vmem_shared>> -> memref<128x64xf32, #tpu.memory_space<vmem_shared>>
      %dma_start3A_59 = arith.constant 0 : i32
      %dma_start3A_60 = tpu.memref_slice %arg11[%add3A_4, %dma_start3A_59] : memref<10112x64xf32, #tpu.memory_space<vmem_shared>> -> memref<128x64xf32, #tpu.memory_space<vmem_shared>>
      %dma_start3A_61 = arith.constant 0 : i32
      %dma_start3A_62 = arith.constant 0 : i32
      %dma_start3A_63 = tpu.memref_slice %arg9[%run_scoped3A_5, %dma_start3A_61, %dma_start3A_62] : memref<3x128x64xf32, #tpu.memory_space<vmem>> -> memref<1x128x64xf32, #tpu.memory_space<vmem>>
      %dma_start3A_64 = tpu.memref_squeeze %dma_start3A_63 : memref<1x128x64xf32, #tpu.memory_space<vmem>> -> memref<128x64xf32, #tpu.memory_space<vmem>>
      tpu.enqueue_dma source(%dma_start3A_64 : memref<128x64xf32, #tpu.memory_space<vmem>>) target(%dma_start3A_60 : memref<128x64xf32, #tpu.memory_space<vmem_shared>>) target_semaphore(%run_scoped3A_52 : memref<!tpu.dma_semaphore, #tpu.memory_space<semaphore_mem>>)
      %dma_wait3A = arith.constant 0 : i32
      %dma_wait3A_65 = arith.constant 0 : i32
      %dma_wait3A_66 = tpu.memref_slice %arg9[%run_scoped3A_5, %dma_wait3A, %dma_wait3A_65] : memref<3x128x64xf32, #tpu.memory_space<vmem>> -> memref<1x128x64xf32, #tpu.memory_space<vmem>>
      %dma_wait3A_67 = tpu.memref_squeeze %dma_wait3A_66 : memref<1x128x64xf32, #tpu.memory_space<vmem>> -> memref<128x64xf32, #tpu.memory_space<vmem>>
      %dma_wait3A_68 = arith.constant 0 : i32
      %dma_wait3A_69 = tpu.memref_slice %arg11[%add3A_4, %dma_wait3A_68] : memref<10112x64xf32, #tpu.memory_space<vmem_shared>> -> memref<128x64xf32, #tpu.memory_space<vmem_shared>>
      %dma_wait3A_70 = arith.constant 0 : i32
      %dma_wait3A_71 = tpu.memref_slice %arg11[%add3A_4, %dma_wait3A_70] : memref<10112x64xf32, #tpu.memory_space<vmem_shared>> -> memref<128x64xf32, #tpu.memory_space<vmem_shared>>
      %dma_wait3A_72 = arith.constant 0 : i32
      %dma_wait3A_73 = arith.constant 0 : i32
      %dma_wait3A_74 = tpu.memref_slice %arg9[%run_scoped3A_5, %dma_wait3A_72, %dma_wait3A_73] : memref<3x128x64xf32, #tpu.memory_space<vmem>> -> memref<1x128x64xf32, #tpu.memory_space<vmem>>
      %dma_wait3A_75 = tpu.memref_squeeze %dma_wait3A_74 : memref<1x128x64xf32, #tpu.memory_space<vmem>> -> memref<128x64xf32, #tpu.memory_space<vmem>>
      tpu.wait_dma2 semaphore(%run_scoped3A_52 : memref<!tpu.dma_semaphore, #tpu.memory_space<semaphore_mem>>) src(%dma_wait3A_75 : memref<128x64xf32, #tpu.memory_space<vmem>>) dst(%dma_wait3A_71 : memref<128x64xf32, #tpu.memory_space<vmem_shared>>)
      tpu.yield
    }) : () -> ()
    %add3A_6 = arith.constant 128 : i32
    %add3A_7 = arith.addi %mul3A_2, %add3A_6 : i32
    %run_scoped3A_8 = arith.constant 0 : i32
    "tpu.region"() ({
      %run_scoped3A_52 = tpu.sem_alloc : memref<!tpu.dma_semaphore, #tpu.memory_space<semaphore_mem>>
      %dma_start3A_53 = arith.constant 0 : i32
      %dma_start3A_54 = arith.constant 0 : i32
      %dma_start3A_55 = tpu.memref_slice %arg9[%run_scoped3A_8, %dma_start3A_53, %dma_start3A_54] : memref<3x128x64xf32, #tpu.memory_space<vmem>> -> memref<1x128x64xf32, #tpu.memory_space<vmem>>
      %dma_start3A_56 = tpu.memref_squeeze %dma_start3A_55 : memref<1x128x64xf32, #tpu.memory_space<vmem>> -> memref<128x64xf32, #tpu.memory_space<vmem>>
      %dma_start3A_57 = arith.constant 0 : i32
      %dma_start3A_58 = tpu.memref_slice %arg11[%add3A_7, %dma_start3A_57] : memref<10112x64xf32, #tpu.memory_space<vmem_shared>> -> memref<128x64xf32, #tpu.memory_space<vmem_shared>>
      %dma_start3A_59 = arith.constant 0 : i32
      %dma_start3A_60 = tpu.memref_slice %arg11[%add3A_7, %dma_start3A_59] : memref<10112x64xf32, #tpu.memory_space<vmem_shared>> -> memref<128x64xf32, #tpu.memory_space<vmem_shared>>
      %dma_start3A_61 = arith.constant 0 : i32
      %dma_start3A_62 = arith.constant 0 : i32
      %dma_start3A_63 = tpu.memref_slice %arg9[%run_scoped3A_8, %dma_start3A_61, %dma_start3A_62] : memref<3x128x64xf32, #tpu.memory_space<vmem>> -> memref<1x128x64xf32, #tpu.memory_space<vmem>>
      %dma_start3A_64 = tpu.memref_squeeze %dma_start3A_63 : memref<1x128x64xf32, #tpu.memory_space<vmem>> -> memref<128x64xf32, #tpu.memory_space<vmem>>
      tpu.enqueue_dma source(%dma_start3A_64 : memref<128x64xf32, #tpu.memory_space<vmem>>) target(%dma_start3A_60 : memref<128x64xf32, #tpu.memory_space<vmem_shared>>) target_semaphore(%run_scoped3A_52 : memref<!tpu.dma_semaphore, #tpu.memory_space<semaphore_mem>>)
      %dma_wait3A = arith.constant 0 : i32
      %dma_wait3A_65 = arith.constant 0 : i32
      %dma_wait3A_66 = tpu.memref_slice %arg9[%run_scoped3A_8, %dma_wait3A, %dma_wait3A_65] : memref<3x128x64xf32, #tpu.memory_space<vmem>> -> memref<1x128x64xf32, #tpu.memory_space<vmem>>
      %dma_wait3A_67 = tpu.memref_squeeze %dma_wait3A_66 : memref<1x128x64xf32, #tpu.memory_space<vmem>> -> memref<128x64xf32, #tpu.memory_space<vmem>>
      %dma_wait3A_68 = arith.constant 0 : i32
      %dma_wait3A_69 = tpu.memref_slice %arg11[%add3A_7, %dma_wait3A_68] : memref<10112x64xf32, #tpu.memory_space<vmem_shared>> -> memref<128x64xf32, #tpu.memory_space<vmem_shared>>
      %dma_wait3A_70 = arith.constant 0 : i32
      %dma_wait3A_71 = tpu.memref_slice %arg11[%add3A_7, %dma_wait3A_70] : memref<10112x64xf32, #tpu.memory_space<vmem_shared>> -> memref<128x64xf32, #tpu.memory_space<vmem_shared>>
      %dma_wait3A_72 = arith.constant 0 : i32
      %dma_wait3A_73 = arith.constant 0 : i32
      %dma_wait3A_74 = tpu.memref_slice %arg9[%run_scoped3A_8, %dma_wait3A_72, %dma_wait3A_73] : memref<3x128x64xf32, #tpu.memory_space<vmem>> -> memref<1x128x64xf32, #tpu.memory_space<vmem>>
      %dma_wait3A_75 = tpu.memref_squeeze %dma_wait3A_74 : memref<1x128x64xf32, #tpu.memory_space<vmem>> -> memref<128x64xf32, #tpu.memory_space<vmem>>
      tpu.wait_dma2 semaphore(%run_scoped3A_52 : memref<!tpu.dma_semaphore, #tpu.memory_space<semaphore_mem>>) src(%dma_wait3A_75 : memref<128x64xf32, #tpu.memory_space<vmem>>) dst(%dma_wait3A_71 : memref<128x64xf32, #tpu.memory_space<vmem_shared>>)
      tpu.yield
    }) : () -> ()
    %add3A_9 = arith.constant 256 : i32
    %add3A_10 = arith.addi %mul3A_2, %add3A_9 : i32
    %run_scoped3A_11 = arith.constant 0 : i32
    "tpu.region"() ({
      %run_scoped3A_52 = tpu.sem_alloc : memref<!tpu.dma_semaphore, #tpu.memory_space<semaphore_mem>>
      %dma_start3A_53 = arith.constant 0 : i32
      %dma_start3A_54 = arith.constant 0 : i32
      %dma_start3A_55 = tpu.memref_slice %arg9[%run_scoped3A_11, %dma_start3A_53, %dma_start3A_54] : memref<3x128x64xf32, #tpu.memory_space<vmem>> -> memref<1x128x64xf32, #tpu.memory_space<vmem>>
      %dma_start3A_56 = tpu.memref_squeeze %dma_start3A_55 : memref<1x128x64xf32, #tpu.memory_space<vmem>> -> memref<128x64xf32, #tpu.memory_space<vmem>>
      %dma_start3A_57 = arith.constant 0 : i32
      %dma_start3A_58 = tpu.memref_slice %arg11[%add3A_10, %dma_start3A_57] : memref<10112x64xf32, #tpu.memory_space<vmem_shared>> -> memref<128x64xf32, #tpu.memory_space<vmem_shared>>
      %dma_start3A_59 = arith.constant 0 : i32
      %dma_start3A_60 = tpu.memref_slice %arg11[%add3A_10, %dma_start3A_59] : memref<10112x64xf32, #tpu.memory_space<vmem_shared>> -> memref<128x64xf32, #tpu.memory_space<vmem_shared>>
      %dma_start3A_61 = arith.constant 0 : i32
      %dma_start3A_62 = arith.constant 0 : i32
      %dma_start3A_63 = tpu.memref_slice %arg9[%run_scoped3A_11, %dma_start3A_61, %dma_start3A_62] : memref<3x128x64xf32, #tpu.memory_space<vmem>> -> memref<1x128x64xf32, #tpu.memory_space<vmem>>
      %dma_start3A_64 = tpu.memref_squeeze %dma_start3A_63 : memref<1x128x64xf32, #tpu.memory_space<vmem>> -> memref<128x64xf32, #tpu.memory_space<vmem>>
      tpu.enqueue_dma source(%dma_start3A_64 : memref<128x64xf32, #tpu.memory_space<vmem>>) target(%dma_start3A_60 : memref<128x64xf32, #tpu.memory_space<vmem_shared>>) target_semaphore(%run_scoped3A_52 : memref<!tpu.dma_semaphore, #tpu.memory_space<semaphore_mem>>)
      %dma_wait3A = arith.constant 0 : i32
      %dma_wait3A_65 = arith.constant 0 : i32
      %dma_wait3A_66 = tpu.memref_slice %arg9[%run_scoped3A_11, %dma_wait3A, %dma_wait3A_65] : memref<3x128x64xf32, #tpu.memory_space<vmem>> -> memref<1x128x64xf32, #tpu.memory_space<vmem>>
      %dma_wait3A_67 = tpu.memref_squeeze %dma_wait3A_66 : memref<1x128x64xf32, #tpu.memory_space<vmem>> -> memref<128x64xf32, #tpu.memory_space<vmem>>
      %dma_wait3A_68 = arith.constant 0 : i32
      %dma_wait3A_69 = tpu.memref_slice %arg11[%add3A_10, %dma_wait3A_68] : memref<10112x64xf32, #tpu.memory_space<vmem_shared>> -> memref<128x64xf32, #tpu.memory_space<vmem_shared>>
      %dma_wait3A_70 = arith.constant 0 : i32
      %dma_wait3A_71 = tpu.memref_slice %arg11[%add3A_10, %dma_wait3A_70] : memref<10112x64xf32, #tpu.memory_space<vmem_shared>> -> memref<128x64xf32, #tpu.memory_space<vmem_shared>>
      %dma_wait3A_72 = arith.constant 0 : i32
      %dma_wait3A_73 = arith.constant 0 : i32
      %dma_wait3A_74 = tpu.memref_slice %arg9[%run_scoped3A_11, %dma_wait3A_72, %dma_wait3A_73] : memref<3x128x64xf32, #tpu.memory_space<vmem>> -> memref<1x128x64xf32, #tpu.memory_space<vmem>>
      %dma_wait3A_75 = tpu.memref_squeeze %dma_wait3A_74 : memref<1x128x64xf32, #tpu.memory_space<vmem>> -> memref<128x64xf32, #tpu.memory_space<vmem>>
      tpu.wait_dma2 semaphore(%run_scoped3A_52 : memref<!tpu.dma_semaphore, #tpu.memory_space<semaphore_mem>>) src(%dma_wait3A_75 : memref<128x64xf32, #tpu.memory_space<vmem>>) dst(%dma_wait3A_71 : memref<128x64xf32, #tpu.memory_space<vmem_shared>>)
      tpu.yield
    }) : () -> ()
    %add3A_12 = arith.constant 384 : i32
    %add3A_13 = arith.addi %mul3A_2, %add3A_12 : i32
    %run_scoped3A_14 = arith.constant 0 : i32
    "tpu.region"() ({
      %run_scoped3A_52 = tpu.sem_alloc : memref<!tpu.dma_semaphore, #tpu.memory_space<semaphore_mem>>
      %dma_start3A_53 = arith.constant 0 : i32
      %dma_start3A_54 = arith.constant 0 : i32
      %dma_start3A_55 = tpu.memref_slice %arg9[%run_scoped3A_14, %dma_start3A_53, %dma_start3A_54] : memref<3x128x64xf32, #tpu.memory_space<vmem>> -> memref<1x128x64xf32, #tpu.memory_space<vmem>>
      %dma_start3A_56 = tpu.memref_squeeze %dma_start3A_55 : memref<1x128x64xf32, #tpu.memory_space<vmem>> -> memref<128x64xf32, #tpu.memory_space<vmem>>
      %dma_start3A_57 = arith.constant 0 : i32
      %dma_start3A_58 = tpu.memref_slice %arg11[%add3A_13, %dma_start3A_57] : memref<10112x64xf32, #tpu.memory_space<vmem_shared>> -> memref<128x64xf32, #tpu.memory_space<vmem_shared>>
      %dma_start3A_59 = arith.constant 0 : i32
      %dma_start3A_60 = tpu.memref_slice %arg11[%add3A_13, %dma_start3A_59] : memref<10112x64xf32, #tpu.memory_space<vmem_shared>> -> memref<128x64xf32, #tpu.memory_space<vmem_shared>>
      %dma_start3A_61 = arith.constant 0 : i32
      %dma_start3A_62 = arith.constant 0 : i32
      %dma_start3A_63 = tpu.memref_slice %arg9[%run_scoped3A_14, %dma_start3A_61, %dma_start3A_62] : memref<3x128x64xf32, #tpu.memory_space<vmem>> -> memref<1x128x64xf32, #tpu.memory_space<vmem>>
      %dma_start3A_64 = tpu.memref_squeeze %dma_start3A_63 : memref<1x128x64xf32, #tpu.memory_space<vmem>> -> memref<128x64xf32, #tpu.memory_space<vmem>>
      tpu.enqueue_dma source(%dma_start3A_64 : memref<128x64xf32, #tpu.memory_space<vmem>>) target(%dma_start3A_60 : memref<128x64xf32, #tpu.memory_space<vmem_shared>>) target_semaphore(%run_scoped3A_52 : memref<!tpu.dma_semaphore, #tpu.memory_space<semaphore_mem>>)
      %dma_wait3A = arith.constant 0 : i32
      %dma_wait3A_65 = arith.constant 0 : i32
      %dma_wait3A_66 = tpu.memref_slice %arg9[%run_scoped3A_14, %dma_wait3A, %dma_wait3A_65] : memref<3x128x64xf32, #tpu.memory_space<vmem>> -> memref<1x128x64xf32, #tpu.memory_space<vmem>>
      %dma_wait3A_67 = tpu.memref_squeeze %dma_wait3A_66 : memref<1x128x64xf32, #tpu.memory_space<vmem>> -> memref<128x64xf32, #tpu.memory_space<vmem>>
      %dma_wait3A_68 = arith.constant 0 : i32
      %dma_wait3A_69 = tpu.memref_slice %arg11[%add3A_13, %dma_wait3A_68] : memref<10112x64xf32, #tpu.memory_space<vmem_shared>> -> memref<128x64xf32, #tpu.memory_space<vmem_shared>>
      %dma_wait3A_70 = arith.constant 0 : i32
      %dma_wait3A_71 = tpu.memref_slice %arg11[%add3A_13, %dma_wait3A_70] : memref<10112x64xf32, #tpu.memory_space<vmem_shared>> -> memref<128x64xf32, #tpu.memory_space<vmem_shared>>
      %dma_wait3A_72 = arith.constant 0 : i32
      %dma_wait3A_73 = arith.constant 0 : i32
      %dma_wait3A_74 = tpu.memref_slice %arg9[%run_scoped3A_14, %dma_wait3A_72, %dma_wait3A_73] : memref<3x128x64xf32, #tpu.memory_space<vmem>> -> memref<1x128x64xf32, #tpu.memory_space<vmem>>
      %dma_wait3A_75 = tpu.memref_squeeze %dma_wait3A_74 : memref<1x128x64xf32, #tpu.memory_space<vmem>> -> memref<128x64xf32, #tpu.memory_space<vmem>>
      tpu.wait_dma2 semaphore(%run_scoped3A_52 : memref<!tpu.dma_semaphore, #tpu.memory_space<semaphore_mem>>) src(%dma_wait3A_75 : memref<128x64xf32, #tpu.memory_space<vmem>>) dst(%dma_wait3A_71 : memref<128x64xf32, #tpu.memory_space<vmem_shared>>)
      tpu.yield
    }) : () -> ()
    %add3A_15 = arith.constant 512 : i32
    %add3A_16 = arith.addi %mul3A_2, %add3A_15 : i32
    %run_scoped3A_17 = arith.constant 0 : i32
    "tpu.region"() ({
      %run_scoped3A_52 = tpu.sem_alloc : memref<!tpu.dma_semaphore, #tpu.memory_space<semaphore_mem>>
      %dma_start3A_53 = arith.constant 0 : i32
      %dma_start3A_54 = arith.constant 0 : i32
      %dma_start3A_55 = tpu.memref_slice %arg9[%run_scoped3A_17, %dma_start3A_53, %dma_start3A_54] : memref<3x128x64xf32, #tpu.memory_space<vmem>> -> memref<1x120x64xf32, #tpu.memory_space<vmem>>
      %dma_start3A_56 = tpu.memref_squeeze %dma_start3A_55 : memref<1x120x64xf32, #tpu.memory_space<vmem>> -> memref<120x64xf32, #tpu.memory_space<vmem>>
      %dma_start3A_57 = arith.constant 0 : i32
      %dma_start3A_58 = tpu.memref_slice %arg11[%add3A_16, %dma_start3A_57] : memref<10112x64xf32, #tpu.memory_space<vmem_shared>> -> memref<120x64xf32, #tpu.memory_space<vmem_shared>>
      %dma_start3A_59 = arith.constant 0 : i32
      %dma_start3A_60 = tpu.memref_slice %arg11[%add3A_16, %dma_start3A_59] : memref<10112x64xf32, #tpu.memory_space<vmem_shared>> -> memref<120x64xf32, #tpu.memory_space<vmem_shared>>
      %dma_start3A_61 = arith.constant 0 : i32
      %dma_start3A_62 = arith.constant 0 : i32
      %dma_start3A_63 = tpu.memref_slice %arg9[%run_scoped3A_17, %dma_start3A_61, %dma_start3A_62] : memref<3x128x64xf32, #tpu.memory_space<vmem>> -> memref<1x120x64xf32, #tpu.memory_space<vmem>>
      %dma_start3A_64 = tpu.memref_squeeze %dma_start3A_63 : memref<1x120x64xf32, #tpu.memory_space<vmem>> -> memref<120x64xf32, #tpu.memory_space<vmem>>
      tpu.enqueue_dma source(%dma_start3A_64 : memref<120x64xf32, #tpu.memory_space<vmem>>) target(%dma_start3A_60 : memref<120x64xf32, #tpu.memory_space<vmem_shared>>) target_semaphore(%run_scoped3A_52 : memref<!tpu.dma_semaphore, #tpu.memory_space<semaphore_mem>>)
      %dma_wait3A = arith.constant 0 : i32
      %dma_wait3A_65 = arith.constant 0 : i32
      %dma_wait3A_66 = tpu.memref_slice %arg9[%run_scoped3A_17, %dma_wait3A, %dma_wait3A_65] : memref<3x128x64xf32, #tpu.memory_space<vmem>> -> memref<1x120x64xf32, #tpu.memory_space<vmem>>
      %dma_wait3A_67 = tpu.memref_squeeze %dma_wait3A_66 : memref<1x120x64xf32, #tpu.memory_space<vmem>> -> memref<120x64xf32, #tpu.memory_space<vmem>>
      %dma_wait3A_68 = arith.constant 0 : i32
      %dma_wait3A_69 = tpu.memref_slice %arg11[%add3A_16, %dma_wait3A_68] : memref<10112x64xf32, #tpu.memory_space<vmem_shared>> -> memref<120x64xf32, #tpu.memory_space<vmem_shared>>
      %dma_wait3A_70 = arith.constant 0 : i32
      %dma_wait3A_71 = tpu.memref_slice %arg11[%add3A_16, %dma_wait3A_70] : memref<10112x64xf32, #tpu.memory_space<vmem_shared>> -> memref<120x64xf32, #tpu.memory_space<vmem_shared>>
      %dma_wait3A_72 = arith.constant 0 : i32
      %dma_wait3A_73 = arith.constant 0 : i32
      %dma_wait3A_74 = tpu.memref_slice %arg9[%run_scoped3A_17, %dma_wait3A_72, %dma_wait3A_73] : memref<3x128x64xf32, #tpu.memory_space<vmem>> -> memref<1x120x64xf32, #tpu.memory_space<vmem>>
      %dma_wait3A_75 = tpu.memref_squeeze %dma_wait3A_74 : memref<1x120x64xf32, #tpu.memory_space<vmem>> -> memref<120x64xf32, #tpu.memory_space<vmem>>
      tpu.wait_dma2 semaphore(%run_scoped3A_52 : memref<!tpu.dma_semaphore, #tpu.memory_space<semaphore_mem>>) src(%dma_wait3A_75 : memref<120x64xf32, #tpu.memory_space<vmem>>) dst(%dma_wait3A_71 : memref<120x64xf32, #tpu.memory_space<vmem_shared>>)
      tpu.yield
    }) : () -> ()
    %barrier3A = arith.constant 0 : index
    tpu.barrier barrier_id(%barrier3A)
    %dma_start3A = arith.constant 0 : i32
    %dma_start3A_18 = arith.constant 0 : i32
    %dma_start3A_19 = arith.constant 0 : i32
    %dma_start3A_20 = arith.constant 0 : i32
    %dma_start3A_21 = arith.constant 0 : i32
    %dma_start3A_22 = tpu.memref_slice %arg9[%dma_start3A_18, %dma_start3A_20, %dma_start3A_21] : memref<3x128x64xf32, #tpu.memory_space<vmem>> -> memref<1x128x64xf32, #tpu.memory_space<vmem>>
    %dma_start3A_23 = tpu.memref_squeeze %dma_start3A_22 : memref<1x128x64xf32, #tpu.memory_space<vmem>> -> memref<128x64xf32, #tpu.memory_space<vmem>>
    %dma_start3A_24 = arith.constant 0 : i32
    %dma_start3A_25 = tpu.memref_slice %arg7[%dma_start3A, %dma_start3A_24] : memref<79x128xi32, #tpu.memory_space<vmem>> -> memref<1x128xi32, #tpu.memory_space<vmem>>
    %dma_start3A_26 = tpu.memref_squeeze %dma_start3A_25 : memref<1x128xi32, #tpu.memory_space<vmem>> -> memref<128xi32, #tpu.memory_space<vmem>>
    %dma_start3A_27 = arith.constant 0 : i32
    %dma_start3A_28 = arith.constant 0 : i32
    %dma_start3A_29 = tpu.memref_slice %arg2[%dma_start3A_27, %dma_start3A_28] : memref<10000x64xf32, #tpu.memory_space<hbm>> -> memref<10000x64xf32, #tpu.memory_space<hbm>>
    %dma_start3A_30 = tpu.memref_slice %arg12[%dma_start3A_19] : memref<3x!tpu.dma_semaphore, #tpu.memory_space<semaphore_mem>> -> memref<1x!tpu.dma_semaphore, #tpu.memory_space<semaphore_mem>>
    %dma_start3A_31 = tpu.memref_squeeze %dma_start3A_30 : memref<1x!tpu.dma_semaphore, #tpu.memory_space<semaphore_mem>> -> memref<!tpu.dma_semaphore, #tpu.memory_space<semaphore_mem>>
    tpu.enqueue_indirect_dma source(%dma_start3A_29 : memref<10000x64xf32, #tpu.memory_space<hbm>>) target(%dma_start3A_23 : memref<128x64xf32, #tpu.memory_space<vmem>>) offsets(%dma_start3A_26 : memref<128xi32, #tpu.memory_space<vmem>>) semaphore(%dma_start3A_31 : memref<!tpu.dma_semaphore, #tpu.memory_space<semaphore_mem>>)
    %dma_start3A_32 = arith.constant 1 : i32
    %dma_start3A_33 = arith.constant 1 : i32
    %dma_start3A_34 = arith.constant 1 : i32
    %dma_start3A_35 = arith.constant 0 : i32
    %dma_start3A_36 = arith.constant 0 : i32
    %dma_start3A_37 = tpu.memref_slice %arg9[%dma_start3A_33, %dma_start3A_35, %dma_start3A_36] : memref<3x128x64xf32, #tpu.memory_space<vmem>> -> memref<1x128x64xf32, #tpu.memory_space<vmem>>
    %dma_start3A_38 = tpu.memref_squeeze %dma_start3A_37 : memref<1x128x64xf32, #tpu.memory_space<vmem>> -> memref<128x64xf32, #tpu.memory_space<vmem>>
    %dma_start3A_39 = arith.constant 0 : i32
    %dma_start3A_40 = tpu.memref_slice %arg7[%dma_start3A_32, %dma_start3A_39] : memref<79x128xi32, #tpu.memory_space<vmem>> -> memref<1x128xi32, #tpu.memory_space<vmem>>
    %dma_start3A_41 = tpu.memref_squeeze %dma_start3A_40 : memref<1x128xi32, #tpu.memory_space<vmem>> -> memref<128xi32, #tpu.memory_space<vmem>>
    %dma_start3A_42 = arith.constant 0 : i32
    %dma_start3A_43 = arith.constant 0 : i32
    %dma_start3A_44 = tpu.memref_slice %arg2[%dma_start3A_42, %dma_start3A_43] : memref<10000x64xf32, #tpu.memory_space<hbm>> -> memref<10000x64xf32, #tpu.memory_space<hbm>>
    %dma_start3A_45 = tpu.memref_slice %arg12[%dma_start3A_34] : memref<3x!tpu.dma_semaphore, #tpu.memory_space<semaphore_mem>> -> memref<1x!tpu.dma_semaphore, #tpu.memory_space<semaphore_mem>>
    %dma_start3A_46 = tpu.memref_squeeze %dma_start3A_45 : memref<1x!tpu.dma_semaphore, #tpu.memory_space<semaphore_mem>> -> memref<!tpu.dma_semaphore, #tpu.memory_space<semaphore_mem>>
    tpu.enqueue_indirect_dma source(%dma_start3A_44 : memref<10000x64xf32, #tpu.memory_space<hbm>>) target(%dma_start3A_38 : memref<128x64xf32, #tpu.memory_space<vmem>>) offsets(%dma_start3A_41 : memref<128xi32, #tpu.memory_space<vmem>>) semaphore(%dma_start3A_46 : memref<!tpu.dma_semaphore, #tpu.memory_space<semaphore_mem>>)
    %scan3A = arith.constant 0 : i32
    %scan3A_47 = arith.constant 79 : i32
    %scan3A_48 = arith.addi %scan3A, %scan3A_47 : i32
    %scan3A_49 = arith.constant 1 : i32
    scf.for %scan3A_52 = %scan3A to %scan3A_48 step %scan3A_49  : i32 {
      %rem3A = arith.constant 3 : i32
      %rem3A_53 = arith.remsi %scan3A_52, %rem3A : i32
      %dma_wait3A = arith.constant 0 : i32
      %dma_wait3A_54 = arith.constant 0 : i32
      %dma_wait3A_55 = tpu.memref_slice %arg9[%rem3A_53, %dma_wait3A, %dma_wait3A_54] : memref<3x128x64xf32, #tpu.memory_space<vmem>> -> memref<1x128x64xf32, #tpu.memory_space<vmem>>
      %dma_wait3A_56 = tpu.memref_squeeze %dma_wait3A_55 : memref<1x128x64xf32, #tpu.memory_space<vmem>> -> memref<128x64xf32, #tpu.memory_space<vmem>>
      %dma_wait3A_57 = arith.constant 0 : i32
      %dma_wait3A_58 = tpu.memref_slice %arg7[%scan3A_52, %dma_wait3A_57] : memref<79x128xi32, #tpu.memory_space<vmem>> -> memref<1x128xi32, #tpu.memory_space<vmem>>
      %dma_wait3A_59 = tpu.memref_squeeze %dma_wait3A_58 : memref<1x128xi32, #tpu.memory_space<vmem>> -> memref<128xi32, #tpu.memory_space<vmem>>
      %dma_wait3A_60 = arith.constant 0 : i32
      %dma_wait3A_61 = arith.constant 0 : i32
      %dma_wait3A_62 = tpu.memref_slice %arg2[%dma_wait3A_60, %dma_wait3A_61] : memref<10000x64xf32, #tpu.memory_space<hbm>> -> memref<10000x64xf32, #tpu.memory_space<hbm>>
      %dma_wait3A_63 = tpu.memref_slice %arg12[%rem3A_53] : memref<3x!tpu.dma_semaphore, #tpu.memory_space<semaphore_mem>> -> memref<1x!tpu.dma_semaphore, #tpu.memory_space<semaphore_mem>>
      %dma_wait3A_64 = tpu.memref_squeeze %dma_wait3A_63 : memref<1x!tpu.dma_semaphore, #tpu.memory_space<semaphore_mem>> -> memref<!tpu.dma_semaphore, #tpu.memory_space<semaphore_mem>>
      tpu.wait_indirect_dma semaphore(%dma_wait3A_64 : memref<!tpu.dma_semaphore, #tpu.memory_space<semaphore_mem>>) src(%dma_wait3A_62 : memref<10000x64xf32, #tpu.memory_space<hbm>>) dst(%dma_wait3A_56 : memref<128x64xf32, #tpu.memory_space<vmem>>)
      "tpu.region"() ({
        %run_scoped3A_70 = tpu.sem_alloc : memref<!tpu.dma_semaphore, #tpu.memory_space<semaphore_mem>>
        %dma_start3A_71 = arith.constant 0 : i32
        %dma_start3A_72 = arith.constant 0 : i32
        %dma_start3A_73 = tpu.memref_slice %arg9[%rem3A_53, %dma_start3A_71, %dma_start3A_72] : memref<3x128x64xf32, #tpu.memory_space<vmem>> -> memref<1x128x64xf32, #tpu.memory_space<vmem>>
        %dma_start3A_74 = tpu.memref_squeeze %dma_start3A_73 : memref<1x128x64xf32, #tpu.memory_space<vmem>> -> memref<128x64xf32, #tpu.memory_space<vmem>>
        %dma_start3A_75 = arith.constant 0 : i32
        %dma_start3A_76 = tpu.memref_slice %arg8[%scan3A_52, %dma_start3A_75] : memref<79x128xi32, #tpu.memory_space<vmem>> -> memref<1x128xi32, #tpu.memory_space<vmem>>
        %dma_start3A_77 = tpu.memref_squeeze %dma_start3A_76 : memref<1x128xi32, #tpu.memory_space<vmem>> -> memref<128xi32, #tpu.memory_space<vmem>>
        %dma_start3A_78 = arith.constant 0 : i32
        %dma_start3A_79 = arith.constant 0 : i32
        %dma_start3A_80 = tpu.memref_slice %arg11[%dma_start3A_78, %dma_start3A_79] : memref<10112x64xf32, #tpu.memory_space<vmem_shared>> -> memref<10112x64xf32, #tpu.memory_space<vmem_shared>>
        tpu.enqueue_indirect_dma source(%dma_start3A_74 : memref<128x64xf32, #tpu.memory_space<vmem>>) target(%dma_start3A_80 : memref<10112x64xf32, #tpu.memory_space<vmem_shared>>) offsets(%dma_start3A_77 : memref<128xi32, #tpu.memory_space<vmem>>) semaphore(%run_scoped3A_70 : memref<!tpu.dma_semaphore, #tpu.memory_space<semaphore_mem>>) {add = true}
        %dma_wait3A_81 = arith.constant 0 : i32
        %dma_wait3A_82 = arith.constant 0 : i32
        %dma_wait3A_83 = tpu.memref_slice %arg9[%rem3A_53, %dma_wait3A_81, %dma_wait3A_82] : memref<3x128x64xf32, #tpu.memory_space<vmem>> -> memref<1x128x64xf32, #tpu.memory_space<vmem>>
        %dma_wait3A_84 = tpu.memref_squeeze %dma_wait3A_83 : memref<1x128x64xf32, #tpu.memory_space<vmem>> -> memref<128x64xf32, #tpu.memory_space<vmem>>
        %dma_wait3A_85 = arith.constant 0 : i32
        %dma_wait3A_86 = tpu.memref_slice %arg8[%scan3A_52, %dma_wait3A_85] : memref<79x128xi32, #tpu.memory_space<vmem>> -> memref<1x128xi32, #tpu.memory_space<vmem>>
        %dma_wait3A_87 = tpu.memref_squeeze %dma_wait3A_86 : memref<1x128xi32, #tpu.memory_space<vmem>> -> memref<128xi32, #tpu.memory_space<vmem>>
        %dma_wait3A_88 = arith.constant 0 : i32
        %dma_wait3A_89 = arith.constant 0 : i32
        %dma_wait3A_90 = tpu.memref_slice %arg11[%dma_wait3A_88, %dma_wait3A_89] : memref<10112x64xf32, #tpu.memory_space<vmem_shared>> -> memref<10112x64xf32, #tpu.memory_space<vmem_shared>>
        tpu.wait_indirect_dma semaphore(%run_scoped3A_70 : memref<!tpu.dma_semaphore, #tpu.memory_space<semaphore_mem>>) src(%dma_wait3A_84 : memref<128x64xf32, #tpu.memory_space<vmem>>) dst(%dma_wait3A_90 : memref<10112x64xf32, #tpu.memory_space<vmem_shared>>)
        tpu.yield
      }) : () -> ()
      %add3A_65 = arith.constant 3 : i32
      %add3A_66 = arith.addi %scan3A_52, %add3A_65 : i32
      %sub3A = arith.constant 1 : i32
      %sub3A_67 = arith.subi %add3A_66, %sub3A : i32
      %lt3A = arith.constant 79 : i32
      %lt3A_68 = arith.cmpi slt, %sub3A_67, %lt3A : i32
      %convert_element_type3A = arith.extui %lt3A_68 : i1 to i32
      %cond3A = arith.constant 0 : i32
      %cond3A_69 = arith.cmpi ne, %convert_element_type3A, %cond3A : i32
      scf.if %cond3A_69 {
        %rem3A_70 = arith.constant 3 : i32
        %rem3A_71 = arith.remsi %sub3A_67, %rem3A_70 : i32
        %dma_start3A_72 = arith.constant 0 : i32
        %dma_start3A_73 = arith.constant 0 : i32
        %dma_start3A_74 = tpu.memref_slice %arg9[%rem3A_71, %dma_start3A_72, %dma_start3A_73] : memref<3x128x64xf32, #tpu.memory_space<vmem>> -> memref<1x128x64xf32, #tpu.memory_space<vmem>>
        %dma_start3A_75 = tpu.memref_squeeze %dma_start3A_74 : memref<1x128x64xf32, #tpu.memory_space<vmem>> -> memref<128x64xf32, #tpu.memory_space<vmem>>
        %dma_start3A_76 = arith.constant 0 : i32
        %dma_start3A_77 = tpu.memref_slice %arg7[%sub3A_67, %dma_start3A_76] : memref<79x128xi32, #tpu.memory_space<vmem>> -> memref<1x128xi32, #tpu.memory_space<vmem>>
        %dma_start3A_78 = tpu.memref_squeeze %dma_start3A_77 : memref<1x128xi32, #tpu.memory_space<vmem>> -> memref<128xi32, #tpu.memory_space<vmem>>
        %dma_start3A_79 = arith.constant 0 : i32
        %dma_start3A_80 = arith.constant 0 : i32
        %dma_start3A_81 = tpu.memref_slice %arg2[%dma_start3A_79, %dma_start3A_80] : memref<10000x64xf32, #tpu.memory_space<hbm>> -> memref<10000x64xf32, #tpu.memory_space<hbm>>
        %dma_start3A_82 = tpu.memref_slice %arg12[%rem3A_71] : memref<3x!tpu.dma_semaphore, #tpu.memory_space<semaphore_mem>> -> memref<1x!tpu.dma_semaphore, #tpu.memory_space<semaphore_mem>>
        %dma_start3A_83 = tpu.memref_squeeze %dma_start3A_82 : memref<1x!tpu.dma_semaphore, #tpu.memory_space<semaphore_mem>> -> memref<!tpu.dma_semaphore, #tpu.memory_space<semaphore_mem>>
        tpu.enqueue_indirect_dma source(%dma_start3A_81 : memref<10000x64xf32, #tpu.memory_space<hbm>>) target(%dma_start3A_75 : memref<128x64xf32, #tpu.memory_space<vmem>>) offsets(%dma_start3A_78 : memref<128xi32, #tpu.memory_space<vmem>>) semaphore(%dma_start3A_83 : memref<!tpu.dma_semaphore, #tpu.memory_space<semaphore_mem>>)
      } else {
      }
    }
    %scan3A_50 = arith.constant 79 : i32
    %barrier3A_51 = arith.constant 0 : index
    tpu.barrier barrier_id(%barrier3A_51)
    "tpu.region"() ({
      %run_scoped3A_52 = tpu.sem_alloc : memref<!tpu.dma_semaphore, #tpu.memory_space<semaphore_mem>>
      %dma_start3A_53 = arith.constant 0 : i32
      %dma_start3A_54 = tpu.memref_slice %arg11[%mul3A_2, %dma_start3A_53] : memref<10112x64xf32, #tpu.memory_space<vmem_shared>> -> memref<632x64xf32, #tpu.memory_space<vmem_shared>>
      %dma_start3A_55 = arith.constant 0 : i32
      %dma_start3A_56 = tpu.memref_slice %arg11[%mul3A_2, %dma_start3A_55] : memref<10112x64xf32, #tpu.memory_space<vmem_shared>> -> memref<632x64xf32, #tpu.memory_space<vmem_shared>>
      tpu.enqueue_dma source(%dma_start3A_56 : memref<632x64xf32, #tpu.memory_space<vmem_shared>>) target(%arg10 : memref<632x64xf32, #tpu.memory_space<vmem>>) target_semaphore(%run_scoped3A_52 : memref<!tpu.dma_semaphore, #tpu.memory_space<semaphore_mem>>)
      %dma_wait3A = arith.constant 0 : i32
      %dma_wait3A_57 = tpu.memref_slice %arg11[%mul3A_2, %dma_wait3A] : memref<10112x64xf32, #tpu.memory_space<vmem_shared>> -> memref<632x64xf32, #tpu.memory_space<vmem_shared>>
      %dma_wait3A_58 = arith.constant 0 : i32
      %dma_wait3A_59 = tpu.memref_slice %arg11[%mul3A_2, %dma_wait3A_58] : memref<10112x64xf32, #tpu.memory_space<vmem_shared>> -> memref<632x64xf32, #tpu.memory_space<vmem_shared>>
      tpu.wait_dma2 semaphore(%run_scoped3A_52 : memref<!tpu.dma_semaphore, #tpu.memory_space<semaphore_mem>>) src(%dma_wait3A_59 : memref<632x64xf32, #tpu.memory_space<vmem_shared>>) dst(%arg10 : memref<632x64xf32, #tpu.memory_space<vmem>>)
      tpu.yield
    }) : () -> ()
    "tpu.region"() ({
      %run_scoped3A_52 = tpu.sem_alloc : memref<!tpu.dma_semaphore, #tpu.memory_space<semaphore_mem>>
      %dma_start3A_53 = arith.constant 0 : i32
      %dma_start3A_54 = tpu.memref_slice %arg6[%arg0, %mul3A_2, %dma_start3A_53] : memref<2x10112x64xf32, #tpu.memory_space<hbm>> -> memref<1x632x64xf32, #tpu.memory_space<hbm>>
      %dma_start3A_55 = tpu.memref_squeeze %dma_start3A_54 : memref<1x632x64xf32, #tpu.memory_space<hbm>> -> memref<632x64xf32, #tpu.memory_space<hbm>>
      %dma_start3A_56 = arith.constant 0 : i32
      %dma_start3A_57 = tpu.memref_slice %arg6[%arg0, %mul3A_2, %dma_start3A_56] : memref<2x10112x64xf32, #tpu.memory_space<hbm>> -> memref<1x632x64xf32, #tpu.memory_space<hbm>>
      %dma_start3A_58 = tpu.memref_squeeze %dma_start3A_57 : memref<1x632x64xf32, #tpu.memory_space<hbm>> -> memref<632x64xf32, #tpu.memory_space<hbm>>
      tpu.enqueue_dma source(%arg10 : memref<632x64xf32, #tpu.memory_space<vmem>>) target(%dma_start3A_58 : memref<632x64xf32, #tpu.memory_space<hbm>>) target_semaphore(%run_scoped3A_52 : memref<!tpu.dma_semaphore, #tpu.memory_space<semaphore_mem>>)
      %dma_wait3A = arith.constant 0 : i32
      %dma_wait3A_59 = tpu.memref_slice %arg6[%arg0, %mul3A_2, %dma_wait3A] : memref<2x10112x64xf32, #tpu.memory_space<hbm>> -> memref<1x632x64xf32, #tpu.memory_space<hbm>>
      %dma_wait3A_60 = tpu.memref_squeeze %dma_wait3A_59 : memref<1x632x64xf32, #tpu.memory_space<hbm>> -> memref<632x64xf32, #tpu.memory_space<hbm>>
      %dma_wait3A_61 = arith.constant 0 : i32
      %dma_wait3A_62 = tpu.memref_slice %arg6[%arg0, %mul3A_2, %dma_wait3A_61] : memref<2x10112x64xf32, #tpu.memory_space<hbm>> -> memref<1x632x64xf32, #tpu.memory_space<hbm>>
      %dma_wait3A_63 = tpu.memref_squeeze %dma_wait3A_62 : memref<1x632x64xf32, #tpu.memory_space<hbm>> -> memref<632x64xf32, #tpu.memory_space<hbm>>
      tpu.wait_dma2 semaphore(%run_scoped3A_52 : memref<!tpu.dma_semaphore, #tpu.memory_space<semaphore_mem>>) src(%arg10 : memref<632x64xf32, #tpu.memory_space<vmem>>) dst(%dma_wait3A_63 : memref<632x64xf32, #tpu.memory_space<hbm>>)
      tpu.yield
    }) : () -> ()
    return
  }
}

module attributes {stable_mosaic.version = 14 : i64} {
  func.func @_tc1_body(%arg0: i32, %arg1: memref<1000x128xf32, #tpu.memory_space<vmem>>, %arg2: memref<128x64xf32, #tpu.memory_space<vmem>>, %arg3: memref<2x1000x8xf32, #tpu.memory_space<vmem>>, %arg4: memref<1000x64xf32, #tpu.memory_space<vmem>>, %arg5: memref<1000x1xf32, #tpu.memory_space<vmem>>) attributes {dimension_semantics = [#tpu.dimension_semantics<arbitrary>], iteration_bounds = array<i64: 10>, scalar_prefetch = 0 : i64, scratch_operands = 0 : i64, tpu.core_type = #tpu.core_type<tc>, window_params = [{transform_indices = @transform_0, window_bounds = array<i64: 1000, 128>}, {pipeline_mode = #tpu.pipeline_mode<synchronous>, transform_indices = @transform_1, window_bounds = array<i64: 128, 64>}, {transform_indices = @transform_2, window_bounds = array<i64: 2, 1000, 8>}, {transform_indices = @transform_3, window_bounds = array<i64: 1000, 64>}, {transform_indices = @transform_4, window_bounds = array<i64: 1000, 1>}]} {
    %get3A = arith.constant 0 : index
    %get3A_0 = arith.constant 0 : index
    %get3A_1 = arith.constant 0 : index
    %get3A_2 = vector.load %arg3[%get3A, %get3A_0, %get3A_1] : memref<2x1000x8xf32, #tpu.memory_space<vmem>>, vector<1x1000x1xf32>
    %get3A_3 = vector.shape_cast %get3A_2 : vector<1x1000x1xf32> to vector<1000x1xf32>
    %get3A_4 = arith.constant 1 : index
    %get3A_5 = arith.constant 0 : index
    %get3A_6 = arith.constant 0 : index
    %get3A_7 = vector.load %arg3[%get3A_4, %get3A_5, %get3A_6] : memref<2x1000x8xf32, #tpu.memory_space<vmem>>, vector<1x1000x1xf32>
    %get3A_8 = vector.shape_cast %get3A_7 : vector<1x1000x1xf32> to vector<1000x1xf32>
    %add3A = arith.addf %get3A_3, %get3A_8 : vector<1000x1xf32>
    %add3A_9 = arith.constant 1.000000e+00 : f32
    %add3A_10 = vector.broadcast %add3A_9 : f32 to vector<1000x1xf32>
    %add3A_11 = arith.addf %add3A_10, %add3A : vector<1000x1xf32>
    %rsqrt3A = math.rsqrt %add3A_11 : vector<1000x1xf32>
    %get3A_12 = arith.constant 0 : index
    %get3A_13 = arith.constant 0 : index
    %get3A_14 = vector.load %arg1[%get3A_12, %get3A_13] : memref<1000x128xf32, #tpu.memory_space<vmem>>, vector<1000x128xf32>
    %get3A_15 = arith.constant 0 : index
    %get3A_16 = arith.constant 0 : index
    %get3A_17 = vector.load %arg2[%get3A_15, %get3A_16] : memref<128x64xf32, #tpu.memory_space<vmem>>, vector<128x64xf32>
    %dot_general3A = arith.constant dense<0.000000e+00> : vector<1000x64xf32>
    %dot_general3A_18 = tpu.matmul %get3A_14, %get3A_17, %dot_general3A {dimension_numbers = #tpu.dot_dimension_numbers<[1], [0], [0], [1], [0, 0, 1, 1], [], []>, transpose_lhs_hint = false} : vector<1000x128xf32>, vector<128x64xf32>, vector<1000x64xf32> -> vector<1000x64xf32>
    %mul3A = vector.broadcast %rsqrt3A : vector<1000x1xf32> to vector<1000x64xf32>
    %mul3A_19 = arith.mulf %mul3A, %dot_general3A_18 : vector<1000x64xf32>
    %swap3A = arith.constant 0 : index
    %swap3A_20 = arith.constant 0 : index
    %swap3A_21 = vector.load %arg4[%swap3A, %swap3A_20] : memref<1000x64xf32, #tpu.memory_space<vmem>>, vector<1000x64xf32>
    tpu.vector_store %arg4[%swap3A, %swap3A_20], %mul3A_19 {strides = array<i32>} : memref<1000x64xf32, #tpu.memory_space<vmem>>, vector<1000x64xf32>,
    %swap3A_22 = arith.constant 0 : index
    %swap3A_23 = arith.constant 0 : index
    %swap3A_24 = vector.load %arg5[%swap3A_22, %swap3A_23] : memref<1000x1xf32, #tpu.memory_space<vmem>>, vector<1000x1xf32>
    tpu.vector_store %arg5[%swap3A_22, %swap3A_23], %rsqrt3A {strides = array<i32>} : memref<1000x1xf32, #tpu.memory_space<vmem>>, vector<1000x1xf32>,
    return
  }
  func.func @transform_0(%arg0: i32) -> (i32, i32) {
    %c0_i32 = arith.constant 0 : i32
    %c0_i32_0 = arith.constant 0 : i32
    return %arg0, %c0_i32 : i32, i32
  }
  func.func @transform_1(%arg0: i32) -> (i32, i32) {
    %c0_i32 = arith.constant 0 : i32
    %c0_i32_0 = arith.constant 0 : i32
    %c0_i32_1 = arith.constant 0 : i32
    return %c0_i32, %c0_i32_0 : i32, i32
  }
  func.func @transform_2(%arg0: i32) -> (i32, i32, i32) {
    %c0_i32 = arith.constant 0 : i32
    %c0_i32_0 = arith.constant 0 : i32
    %c0_i32_1 = arith.constant 0 : i32
    return %c0_i32, %arg0, %c0_i32_0 : i32, i32, i32
  }
  func.func @transform_3(%arg0: i32) -> (i32, i32) {
    %c0_i32 = arith.constant 0 : i32
    %c0_i32_0 = arith.constant 0 : i32
    return %arg0, %c0_i32 : i32, i32
  }
  func.func @transform_4(%arg0: i32) -> (i32, i32) {
    %c0_i32 = arith.constant 0 : i32
    %c0_i32_0 = arith.constant 0 : i32
    return %arg0, %c0_i32 : i32, i32
  }
}

module attributes {stable_mosaic.version = 14 : i64} {
  func.func @_tc2_body(%arg0: i32, %arg1: memref<2x1000x64xf32, #tpu.memory_space<vmem>>, %arg2: memref<1000x64xf32, #tpu.memory_space<vmem>>, %arg3: memref<1000x1xf32, #tpu.memory_space<vmem>>, %arg4: memref<1x64xf32, #tpu.memory_space<vmem>>, %arg5: memref<64x64xf32, #tpu.memory_space<vmem>>, %arg6: memref<1000x64xf32, #tpu.memory_space<vmem>>) attributes {dimension_semantics = [#tpu.dimension_semantics<arbitrary>], iteration_bounds = array<i64: 10>, scalar_prefetch = 0 : i64, scratch_operands = 0 : i64, tpu.core_type = #tpu.core_type<tc>, window_params = [{transform_indices = @transform_0, window_bounds = array<i64: 2, 1000, 64>}, {transform_indices = @transform_1, window_bounds = array<i64: 1000, 64>}, {transform_indices = @transform_2, window_bounds = array<i64: 1000, 1>}, {pipeline_mode = #tpu.pipeline_mode<synchronous>, transform_indices = @transform_3, window_bounds = array<i64: 1, 64>}, {pipeline_mode = #tpu.pipeline_mode<synchronous>, transform_indices = @transform_4, window_bounds = array<i64: 64, 64>}, {transform_indices = @transform_5, window_bounds = array<i64: 1000, 64>}]} {
    %get3A = arith.constant 0 : index
    %get3A_0 = arith.constant 0 : index
    %get3A_1 = vector.load %arg3[%get3A, %get3A_0] : memref<1000x1xf32, #tpu.memory_space<vmem>>, vector<1000x1xf32>
    %get3A_2 = arith.constant 0 : index
    %get3A_3 = arith.constant 0 : index
    %get3A_4 = arith.constant 0 : index
    %get3A_5 = vector.load %arg1[%get3A_2, %get3A_3, %get3A_4] : memref<2x1000x64xf32, #tpu.memory_space<vmem>>, vector<1x1000x64xf32>
    %get3A_6 = vector.shape_cast %get3A_5 : vector<1x1000x64xf32> to vector<1000x64xf32>
    %get3A_7 = arith.constant 1 : index
    %get3A_8 = arith.constant 0 : index
    %get3A_9 = arith.constant 0 : index
    %get3A_10 = vector.load %arg1[%get3A_7, %get3A_8, %get3A_9] : memref<2x1000x64xf32, #tpu.memory_space<vmem>>, vector<1x1000x64xf32>
    %get3A_11 = vector.shape_cast %get3A_10 : vector<1x1000x64xf32> to vector<1000x64xf32>
    %add3A = arith.addf %get3A_6, %get3A_11 : vector<1000x64xf32>
    %get3A_12 = arith.constant 0 : index
    %get3A_13 = arith.constant 0 : index
    %get3A_14 = vector.load %arg2[%get3A_12, %get3A_13] : memref<1000x64xf32, #tpu.memory_space<vmem>>, vector<1000x64xf32>
    %add3A_15 = arith.addf %add3A, %get3A_14 : vector<1000x64xf32>
    %mul3A = vector.broadcast %get3A_1 : vector<1000x1xf32> to vector<1000x64xf32>
    %mul3A_16 = arith.mulf %mul3A, %add3A_15 : vector<1000x64xf32>
    %get3A_17 = arith.constant 0 : index
    %get3A_18 = arith.constant 0 : index
    %get3A_19 = vector.load %arg4[%get3A_17, %get3A_18] : memref<1x64xf32, #tpu.memory_space<vmem>>, vector<1x64xf32>
    %add3A_20 = vector.broadcast %get3A_19 : vector<1x64xf32> to vector<1000x64xf32>
    %add3A_21 = arith.addf %mul3A_16, %add3A_20 : vector<1000x64xf32>
    %max3A = arith.constant 0.000000e+00 : f32
    %max3A_22 = vector.broadcast %max3A : f32 to vector<1000x64xf32>
    %max3A_23 = arith.maximumf %add3A_21, %max3A_22 : vector<1000x64xf32>
    %get3A_24 = arith.constant 0 : index
    %get3A_25 = arith.constant 0 : index
    %get3A_26 = vector.load %arg5[%get3A_24, %get3A_25] : memref<64x64xf32, #tpu.memory_space<vmem>>, vector<64x64xf32>
    %dot_general3A = arith.constant dense<0.000000e+00> : vector<1000x64xf32>
    %dot_general3A_27 = tpu.matmul %max3A_23, %get3A_26, %dot_general3A {dimension_numbers = #tpu.dot_dimension_numbers<[1], [0], [0], [1], [0, 0, 1, 1], [], []>, transpose_lhs_hint = false} : vector<1000x64xf32>, vector<64x64xf32>, vector<1000x64xf32> -> vector<1000x64xf32>
    %mul3A_28 = vector.broadcast %get3A_1 : vector<1000x1xf32> to vector<1000x64xf32>
    %mul3A_29 = arith.mulf %mul3A_28, %dot_general3A_27 : vector<1000x64xf32>
    %swap3A = arith.constant 0 : index
    %swap3A_30 = arith.constant 0 : index
    %swap3A_31 = vector.load %arg6[%swap3A, %swap3A_30] : memref<1000x64xf32, #tpu.memory_space<vmem>>, vector<1000x64xf32>
    tpu.vector_store %arg6[%swap3A, %swap3A_30], %mul3A_29 {strides = array<i32>} : memref<1000x64xf32, #tpu.memory_space<vmem>>, vector<1000x64xf32>,
    return
  }
  func.func @transform_0(%arg0: i32) -> (i32, i32, i32) {
    %c0_i32 = arith.constant 0 : i32
    %c0_i32_0 = arith.constant 0 : i32
    %c0_i32_1 = arith.constant 0 : i32
    return %c0_i32, %arg0, %c0_i32_0 : i32, i32, i32
  }
  func.func @transform_1(%arg0: i32) -> (i32, i32) {
    %c0_i32 = arith.constant 0 : i32
    %c0_i32_0 = arith.constant 0 : i32
    return %arg0, %c0_i32 : i32, i32
  }
  func.func @transform_2(%arg0: i32) -> (i32, i32) {
    %c0_i32 = arith.constant 0 : i32
    %c0_i32_0 = arith.constant 0 : i32
    return %arg0, %c0_i32 : i32, i32
  }
  func.func @transform_3(%arg0: i32) -> (i32, i32) {
    %c0_i32 = arith.constant 0 : i32
    %c0_i32_0 = arith.constant 0 : i32
    %c0_i32_1 = arith.constant 0 : i32
    return %c0_i32, %c0_i32_0 : i32, i32
  }
  func.func @transform_4(%arg0: i32) -> (i32, i32) {
    %c0_i32 = arith.constant 0 : i32
    %c0_i32_0 = arith.constant 0 : i32
    %c0_i32_1 = arith.constant 0 : i32
    return %c0_i32, %c0_i32_0 : i32, i32
  }
  func.func @transform_5(%arg0: i32) -> (i32, i32) {
    %c0_i32 = arith.constant 0 : i32
    %c0_i32_0 = arith.constant 0 : i32
    return %arg0, %c0_i32 : i32, i32
  }
}

module attributes {stable_mosaic.version = 14 : i64} {
  func.func @_tc3_body(%arg0: i32, %arg1: memref<2x1000x64xf32, #tpu.memory_space<vmem>>, %arg2: memref<1000x64xf32, #tpu.memory_space<vmem>>, %arg3: memref<1000x1xf32, #tpu.memory_space<vmem>>, %arg4: memref<1x64xf32, #tpu.memory_space<vmem>>, %arg5: memref<1000x1xi32, #tpu.memory_space<vmem>>, %arg6: memref<64x2xf32, #tpu.memory_space<vmem>>, %arg7: memref<1x2xf32, #tpu.memory_space<vmem>>, %arg8: memref<64x2xf32, #tpu.memory_space<vmem>>, %arg9: memref<64x64xf32, #tpu.memory_space<vmem>>, %arg10: memref<64x1xf32, #tpu.memory_space<vmem>>) attributes {dimension_semantics = [#tpu.dimension_semantics<arbitrary>], iteration_bounds = array<i64: 10>, scalar_prefetch = 0 : i64, scratch_operands = 2 : i64, tpu.core_type = #tpu.core_type<tc>, window_params = [{transform_indices = @transform_0, window_bounds = array<i64: 2, 1000, 64>}, {transform_indices = @transform_1, window_bounds = array<i64: 1000, 64>}, {transform_indices = @transform_2, window_bounds = array<i64: 1000, 1>}, {pipeline_mode = #tpu.pipeline_mode<synchronous>, transform_indices = @transform_3, window_bounds = array<i64: 1, 64>}, {transform_indices = @transform_4, window_bounds = array<i64: 1000, 1>}, {pipeline_mode = #tpu.pipeline_mode<synchronous>, transform_indices = @transform_5, window_bounds = array<i64: 64, 2>}, {pipeline_mode = #tpu.pipeline_mode<synchronous>, transform_indices = @transform_6, window_bounds = array<i64: 1, 2>}, {pipeline_mode = #tpu.pipeline_mode<synchronous>, transform_indices = @transform_7, window_bounds = array<i64: 64, 2>}]} {
    %eq3A = arith.constant 0 : i32
    %eq3A_0 = arith.cmpi eq, %arg0, %eq3A : i32
    %convert_element_type3A = arith.extui %eq3A_0 : i1 to i32
    %cond3A = arith.constant 0 : i32
    %cond3A_1 = arith.cmpi ne, %convert_element_type3A, %cond3A : i32
    scf.if %cond3A_1 {
      %broadcast_in_dim3A_55 = arith.constant 0.000000e+00 : f32
      %broadcast_in_dim3A_56 = vector.broadcast %broadcast_in_dim3A_55 : f32 to vector<64x64xf32>
      %swap3A_57 = arith.constant 0 : index
      %swap3A_58 = arith.constant 0 : index
      %swap3A_59 = vector.load %arg9[%swap3A_57, %swap3A_58] : memref<64x64xf32, #tpu.memory_space<vmem>>, vector<64x64xf32>
      tpu.vector_store %arg9[%swap3A_57, %swap3A_58], %broadcast_in_dim3A_56 {strides = array<i32>} : memref<64x64xf32, #tpu.memory_space<vmem>>, vector<64x64xf32>,
      %broadcast_in_dim3A_60 = arith.constant 0.000000e+00 : f32
      %broadcast_in_dim3A_61 = vector.broadcast %broadcast_in_dim3A_60 : f32 to vector<64x1xf32>
      %swap3A_62 = arith.constant 0 : index
      %swap3A_63 = arith.constant 0 : index
      %swap3A_64 = vector.load %arg10[%swap3A_62, %swap3A_63] : memref<64x1xf32, #tpu.memory_space<vmem>>, vector<64x1xf32>
      tpu.vector_store %arg10[%swap3A_62, %swap3A_63], %broadcast_in_dim3A_61 {strides = array<i32>} : memref<64x1xf32, #tpu.memory_space<vmem>>, vector<64x1xf32>,
    } else {
    }
    %get3A = arith.constant 0 : index
    %get3A_2 = arith.constant 0 : index
    %get3A_3 = vector.load %arg3[%get3A, %get3A_2] : memref<1000x1xf32, #tpu.memory_space<vmem>>, vector<1000x1xf32>
    %get3A_4 = arith.constant 0 : index
    %get3A_5 = arith.constant 0 : index
    %get3A_6 = arith.constant 0 : index
    %get3A_7 = vector.load %arg1[%get3A_4, %get3A_5, %get3A_6] : memref<2x1000x64xf32, #tpu.memory_space<vmem>>, vector<1x1000x64xf32>
    %get3A_8 = vector.shape_cast %get3A_7 : vector<1x1000x64xf32> to vector<1000x64xf32>
    %get3A_9 = arith.constant 1 : index
    %get3A_10 = arith.constant 0 : index
    %get3A_11 = arith.constant 0 : index
    %get3A_12 = vector.load %arg1[%get3A_9, %get3A_10, %get3A_11] : memref<2x1000x64xf32, #tpu.memory_space<vmem>>, vector<1x1000x64xf32>
    %get3A_13 = vector.shape_cast %get3A_12 : vector<1x1000x64xf32> to vector<1000x64xf32>
    %add3A = arith.addf %get3A_8, %get3A_13 : vector<1000x64xf32>
    %get3A_14 = arith.constant 0 : index
    %get3A_15 = arith.constant 0 : index
    %get3A_16 = vector.load %arg2[%get3A_14, %get3A_15] : memref<1000x64xf32, #tpu.memory_space<vmem>>, vector<1000x64xf32>
    %add3A_17 = arith.addf %add3A, %get3A_16 : vector<1000x64xf32>
    %mul3A = vector.broadcast %get3A_3 : vector<1000x1xf32> to vector<1000x64xf32>
    %mul3A_18 = arith.mulf %mul3A, %add3A_17 : vector<1000x64xf32>
    %get3A_19 = arith.constant 0 : index
    %get3A_20 = arith.constant 0 : index
    %get3A_21 = vector.load %arg4[%get3A_19, %get3A_20] : memref<1x64xf32, #tpu.memory_space<vmem>>, vector<1x64xf32>
    %add3A_22 = vector.broadcast %get3A_21 : vector<1x64xf32> to vector<1000x64xf32>
    %add3A_23 = arith.addf %mul3A_18, %add3A_22 : vector<1000x64xf32>
    %max3A = arith.constant 0.000000e+00 : f32
    %max3A_24 = vector.broadcast %max3A : f32 to vector<1000x64xf32>
    %max3A_25 = arith.maximumf %add3A_23, %max3A_24 : vector<1000x64xf32>
    %iota3A = tpu.iota {dimensions = array<i32: 1>} : vector<1000x64xi32>
    %get3A_26 = arith.constant 0 : index
    %get3A_27 = arith.constant 0 : index
    %get3A_28 = vector.load %arg5[%get3A_26, %get3A_27] : memref<1000x1xi32, #tpu.memory_space<vmem>>, vector<1000x1xi32>
    %eq3A_29 = vector.broadcast %get3A_28 : vector<1000x1xi32> to vector<1000x64xi32>
    %eq3A_30 = arith.cmpi eq, %eq3A_29, %iota3A : vector<1000x64xi32>
    %convert_element_type3A_31 = arith.extui %eq3A_30 : vector<1000x64xi1> to vector<1000x64xi32>
    %convert_element_type3A_32 = arith.sitofp %convert_element_type3A_31 : vector<1000x64xi32> to vector<1000x64xf32>
    %get3A_33 = arith.constant 0 : index
    %get3A_34 = arith.constant 0 : index
    %get3A_35 = vector.load %arg9[%get3A_33, %get3A_34] : memref<64x64xf32, #tpu.memory_space<vmem>>, vector<64x64xf32>
    %dot_general3A = arith.constant dense<0.000000e+00> : vector<64x64xf32>
    %dot_general3A_36 = tpu.matmul %convert_element_type3A_32, %max3A_25, %dot_general3A {dimension_numbers = #tpu.dot_dimension_numbers<[0], [0], [1], [1], [0, 1, 1, 1], [], []>, precision = #tpu.contract_precision<fp32>, transpose_lhs_hint = false} : vector<1000x64xf32>, vector<1000x64xf32>, vector<64x64xf32> -> vector<64x64xf32>
    %add3A_37 = arith.addf %get3A_35, %dot_general3A_36 : vector<64x64xf32>
    %swap3A = arith.constant 0 : index
    %swap3A_38 = arith.constant 0 : index
    %swap3A_39 = vector.load %arg9[%swap3A, %swap3A_38] : memref<64x64xf32, #tpu.memory_space<vmem>>, vector<64x64xf32>
    tpu.vector_store %arg9[%swap3A, %swap3A_38], %add3A_37 {strides = array<i32>} : memref<64x64xf32, #tpu.memory_space<vmem>>, vector<64x64xf32>,
    %get3A_40 = arith.constant 0 : index
    %get3A_41 = arith.constant 0 : index
    %get3A_42 = vector.load %arg10[%get3A_40, %get3A_41] : memref<64x1xf32, #tpu.memory_space<vmem>>, vector<64x1xf32>
    %broadcast_in_dim3A = arith.constant 1.000000e+00 : f32
    %broadcast_in_dim3A_43 = vector.broadcast %broadcast_in_dim3A : f32 to vector<1000x1xf32>
    %dot_general3A_44 = arith.constant dense<0.000000e+00> : vector<64x1xf32>
    %dot_general3A_45 = tpu.matmul %convert_element_type3A_32, %broadcast_in_dim3A_43, %dot_general3A_44 {dimension_numbers = #tpu.dot_dimension_numbers<[0], [0], [1], [1], [0, 1, 1, 1], [], []>, precision = #tpu.contract_precision<fp32>, transpose_lhs_hint = false} : vector<1000x64xf32>, vector<1000x1xf32>, vector<64x1xf32> -> vector<64x1xf32>
    %add3A_46 = arith.addf %get3A_42, %dot_general3A_45 : vector<64x1xf32>
    %swap3A_47 = arith.constant 0 : index
    %swap3A_48 = arith.constant 0 : index
    %swap3A_49 = vector.load %arg10[%swap3A_47, %swap3A_48] : memref<64x1xf32, #tpu.memory_space<vmem>>, vector<64x1xf32>
    tpu.vector_store %arg10[%swap3A_47, %swap3A_48], %add3A_46 {strides = array<i32>} : memref<64x1xf32, #tpu.memory_space<vmem>>, vector<64x1xf32>,
    %eq3A_50 = arith.constant 9 : i32
    %eq3A_51 = arith.cmpi eq, %arg0, %eq3A_50 : i32
    %convert_element_type3A_52 = arith.extui %eq3A_51 : i1 to i32
    %cond3A_53 = arith.constant 0 : i32
    %cond3A_54 = arith.cmpi ne, %convert_element_type3A_52, %cond3A_53 : i32
    scf.if %cond3A_54 {
      %get3A_55 = arith.constant 0 : index
      %get3A_56 = arith.constant 0 : index
      %get3A_57 = vector.load %arg9[%get3A_55, %get3A_56] : memref<64x64xf32, #tpu.memory_space<vmem>>, vector<64x64xf32>
      %get3A_58 = arith.constant 0 : index
      %get3A_59 = arith.constant 0 : index
      %get3A_60 = vector.load %arg10[%get3A_58, %get3A_59] : memref<64x1xf32, #tpu.memory_space<vmem>>, vector<64x1xf32>
      %max3A_61 = arith.constant 1.000000e+00 : f32
      %max3A_62 = vector.broadcast %max3A_61 : f32 to vector<64x1xf32>
      %max3A_63 = arith.maximumf %get3A_60, %max3A_62 : vector<64x1xf32>
      %div3A = vector.broadcast %max3A_63 : vector<64x1xf32> to vector<64x64xf32>
      %div3A_64 = arith.divf %get3A_57, %div3A : vector<64x64xf32>
      %get3A_65 = arith.constant 0 : index
      %get3A_66 = arith.constant 0 : index
      %get3A_67 = vector.load %arg6[%get3A_65, %get3A_66] : memref<64x2xf32, #tpu.memory_space<vmem>>, vector<64x2xf32>
      %dot_general3A_68 = arith.constant dense<0.000000e+00> : vector<64x2xf32>
      %dot_general3A_69 = tpu.matmul %div3A_64, %get3A_67, %dot_general3A_68 {dimension_numbers = #tpu.dot_dimension_numbers<[1], [0], [0], [1], [0, 0, 1, 1], [], []>, transpose_lhs_hint = false} : vector<64x64xf32>, vector<64x2xf32>, vector<64x2xf32> -> vector<64x2xf32>
      %get3A_70 = arith.constant 0 : index
      %get3A_71 = arith.constant 0 : index
      %get3A_72 = vector.load %arg7[%get3A_70, %get3A_71] : memref<1x2xf32, #tpu.memory_space<vmem>>, vector<1x2xf32>
      %add3A_73 = vector.broadcast %get3A_72 : vector<1x2xf32> to vector<64x2xf32>
      %add3A_74 = arith.addf %dot_general3A_69, %add3A_73 : vector<64x2xf32>
      %swap3A_75 = arith.constant 0 : index
      %swap3A_76 = arith.constant 0 : index
      %swap3A_77 = vector.load %arg8[%swap3A_75, %swap3A_76] : memref<64x2xf32, #tpu.memory_space<vmem>>, vector<64x2xf32>
      tpu.vector_store %arg8[%swap3A_75, %swap3A_76], %add3A_74 {strides = array<i32>} : memref<64x2xf32, #tpu.memory_space<vmem>>, vector<64x2xf32>,
    } else {
    }
    return
  }
  func.func @transform_0(%arg0: i32) -> (i32, i32, i32) {
    %c0_i32 = arith.constant 0 : i32
    %c0_i32_0 = arith.constant 0 : i32
    %c0_i32_1 = arith.constant 0 : i32
    return %c0_i32, %arg0, %c0_i32_0 : i32, i32, i32
  }
  func.func @transform_1(%arg0: i32) -> (i32, i32) {
    %c0_i32 = arith.constant 0 : i32
    %c0_i32_0 = arith.constant 0 : i32
    return %arg0, %c0_i32 : i32, i32
  }
  func.func @transform_2(%arg0: i32) -> (i32, i32) {
    %c0_i32 = arith.constant 0 : i32
    %c0_i32_0 = arith.constant 0 : i32
    return %arg0, %c0_i32 : i32, i32
  }
  func.func @transform_3(%arg0: i32) -> (i32, i32) {
    %c0_i32 = arith.constant 0 : i32
    %c0_i32_0 = arith.constant 0 : i32
    %c0_i32_1 = arith.constant 0 : i32
    return %c0_i32, %c0_i32_0 : i32, i32
  }
  func.func @transform_4(%arg0: i32) -> (i32, i32) {
    %c0_i32 = arith.constant 0 : i32
    %c0_i32_0 = arith.constant 0 : i32
    return %arg0, %c0_i32 : i32, i32
  }
  func.func @transform_5(%arg0: i32) -> (i32, i32) {
    %c0_i32 = arith.constant 0 : i32
    %c0_i32_0 = arith.constant 0 : i32
    %c0_i32_1 = arith.constant 0 : i32
    return %c0_i32, %c0_i32_0 : i32, i32
  }
  func.func @transform_6(%arg0: i32) -> (i32, i32) {
    %c0_i32 = arith.constant 0 : i32
    %c0_i32_0 = arith.constant 0 : i32
    %c0_i32_1 = arith.constant 0 : i32
    return %c0_i32, %c0_i32_0 : i32, i32
  }
  func.func @transform_7(%arg0: i32) -> (i32, i32) {
    %c0_i32 = arith.constant 0 : i32
    %c0_i32_0 = arith.constant 0 : i32
    %c0_i32_1 = arith.constant 0 : i32
    return %c0_i32, %c0_i32_0 : i32, i32
  }
}

</mosaic_0001>

<sc_bundles>
// kernel: kernel.11.cloned.1.call-start
scs
__scs_entry_jumppad:
0x0: {  	(pc) =	sbr.rel $0x88, $3  }
0x1: {  	(tag) =	ssettag $0x0;
	lr =	simm.s32 $0x1  }
0x2: {  	[smem:$0x3F98] =	sst lr;
	_ =	strace $0xD0000000  }
0x3: {  	_ = 	snop  }
0x4: {  	_ = 	snop  }
0x5: {  	_ = 	snop  }
0x6: {  	_ = 	snop  }
0x7: {  	_ = 	snop  }
__scs_overlays_trampoline_lowered:
0x8: {  	[smem:$0x3FA7] =	sst s0  }
0x9: {  	[smem:$0x3FA8] =	sst s1  }
0xa: {  	[smem:$0x3FA9] =	sst s2  }
0xb: {  	[smem:$0x3FAA] =	sst s3  }
0xc: {  	[smem:$0x3FAB] =	sst s4  }
0xd: {  	[smem:$0x3FAC] =	sst s5  }
0xe: {  	[smem:$0x3FAD] =	sst s6  }
0xf: {  	[smem:$0x3FAE] =	sst s7  }
0x10: {  	[smem:$0x3FAF] =	sst s8  }
0x11: {  	[smem:$0x3FB0] =	sst s9;
	s0 =	simm.s32 @!p0 $0x0  }
0x12: {  	s1 =	sld [smem:$0x3F96];
	s0 =	simm.s32 @p0 $0x1  }
0x13: {  	[smem:$0x3FB1] =	sst s0;
	s0 =	simm.s32 @!p1 $0x0  }
0x14: {  	s2 =	sld [smem:$0x3F95];
	s0 =	simm.s32 @p1 $0x1  }
0x15: {  	[smem:$0x3FB2] =	sst s0;
	s0 =	simm.s32 @!p2 $0x0  }
0x16: {  	s3 =	sld [smem:$0x3FDB];
	s0 =	simm.s32 @p2 $0x1  }
0x17: {  	s4 =	simm.s32 $0x1BF5;
	[smem:$0x3FB4] =	sst s0  }
0x18: {  	s0 =	sld [smem:$0x3F97];
	_ =	swait.ge [sflag:s4], $0x0  }
0x19: {  	s7 =	sld [smem:$0x3F98]  }
0x1a: {  	s8 =	sadd.s32 $0xFFFFE003, lr  }
0x1b: {  	s9 =	sadd.s32 $0xFFFFFEF7, lr;
	s5 =	simm.s32 $0xFFFFFFFF;
	p2 =	slt.u32 s8, $0xFFFFF086  }
0x1c: {  	p1 =	slt.u32 s9, $0xF7A;
	s5 =	simm.s32 @!p2 $0x0  }
0x1d: {  	s5 =	simm.s32 @p1 $0x1;
	p0 =	seq.s32 s7, s2  }
0x1e: {  	s7 =	smul.u32 @!p0 $0xF7A, s2;
	p2 =	seq.s32 @!p0 s5, $0x0  }
0x1f: {  	s9 =	smul.u32 $0xF7A, s1;
	s8 =	simm.s32 @!p0 $0x1BF5;
	p2 =	por !p2, p0  }
0x20: {  	[sflag:s8] =	ssyncset.s32 @!p0 $0xFFFFF086;
	s6 =	sadd.s32 @!p0 s3, s7;
	s7 =	simm.s32 @!p0 $0x108  }
0x21: {  	s3 =	sadd.s32 s3, s9;
	s6 =	sadd.s32 @!p0 $0x88, s6;
	s7 =	simm.s32 @p2 $0x1082  }
0x22: {  	[simem:s7], [sflag:s8] =	dma.local @!p0 [hbm:s6], $0xF7A  }
0x23: {  	s9 =	sor.u32 $0xD0000000, s2;
	s6 =	simm.s32 $0x108;
	_ =	swait.ge @!p0 [sflag:s8], $0x0  }
0x24: {  	s3 =	sadd.s32 $0x88, s3;
	s6 =	simm.s32 @!p1 $0x1082;
	[sflag:s4] =	ssyncset.s32 $0xFFFFF086  }
0x25: {  	[simem:s6], [sflag:s4] =	dma.local [hbm:s3], $0xF7A  }
0x26: {  	[smem:$0x3F98] =	sst s1;
	(tag) =	ssettag s2;
	_ =	strace s9  }
0x27: {  	s1 =	sld [smem:$0x3FA8]  }
0x28: {  	s2 =	sld [smem:$0x3FA9]  }
0x29: {  	s4 =	sld [smem:$0x3FAB]  }
0x2a: {  	p0 =	seq.s32 s5, $0x0;
	s5 =	sld [smem:$0x3FAC]  }
0x2b: {  	s6 =	sld [smem:$0x3FAD]  }
0x2c: {  	s7 =	sld [smem:$0x3FAE]  }
0x2d: {  	s3 =	simm.s32 $0x108;
	s8 =	sld [smem:$0x3FAF]  }
0x2e: {  	s3 =	simm.s32 @!p0 $0x1082;
	s9 =	sld [smem:$0x3FB0]  }
0x2f: {  	lr =	sadd.s32 s0, s3;
	s0 =	sld [smem:$0x3FA7]  }
0x30: {  	s3 =	sld [smem:$0x3FAA]  }
0x31: {  	[smem:$0x3FB3] =	sst s10  }
0x32: {  	s10 =	sld [smem:$0x3FB1];
	_ =	sdelay $0x3  }
0x33: {  	p0 =	seq.s32 s10, $0x1;
	s10 =	sld [smem:$0x3FB3];
	_ =	sdelay $0x3  }
0x34: {  	[smem:$0x3FB3] =	sst s10  }
0x35: {  	s10 =	sld [smem:$0x3FB2];
	_ =	sdelay $0x3  }
0x36: {  	p1 =	seq.s32 s10, $0x1;
	s10 =	sld [smem:$0x3FB3];
	_ =	sdelay $0x3  }
0x37: {  	[smem:$0x3FB3] =	sst s10  }
0x38: {  	s10 =	sld [smem:$0x3FB4]  }
0x39: {  	_ = 	snop;
	(pc) =	sbr.ind lr, $3  }
0x3a: {  	_ = 	snop  }
0x3b: {  	_ = 	snop  }
0x3c: {  	p2 =	seq.s32 s10, $0x1;
	s10 =	sld [smem:$0x3FB3]  }
0x3d: {  	_ =	shalt  }
0x3e: {  	_ =	shalt  }
0x3f: {  	_ =	shalt  }
0x40: {  	_ =	shalt  }
0x41: {  	_ =	shalt  }
0x42: {  	_ =	shalt  }
0x43: {  	_ =	shalt  }
0x44: {  	_ =	shalt  }
0x45: {  	_ =	shalt  }
0x46: {  	_ =	shalt  }
0x47: {  	_ =	shalt  }
0x48: {  	_ =	shalt  }
0x49: {  	_ =	shalt  }
0x4a: {  	_ =	shalt  }
0x4b: {  	_ =	shalt  }
0x4c: {  	_ =	shalt  }
0x4d: {  	_ =	shalt  }
0x4e: {  	_ =	shalt  }
0x4f: {  	_ =	shalt  }
0x50: {  	_ =	shalt  }
0x51: {  	_ =	shalt  }
0x52: {  	_ =	shalt  }
0x53: {  	_ =	shalt  }
0x54: {  	_ =	shalt  }
0x55: {  	_ =	shalt  }
0x56: {  	_ =	shalt  }
0x57: {  	_ =	shalt  }
0x58: {  	_ =	shalt  }
0x59: {  	_ =	shalt  }
0x5a: {  	_ =	shalt  }
0x5b: {  	_ =	shalt  }
0x5c: {  	_ =	shalt  }
0x5d: {  	_ =	shalt  }
0x5e: {  	_ =	shalt  }
0x5f: {  	_ =	shalt  }
0x60: {  	_ =	shalt  }
0x61: {  	_ =	shalt  }
0x62: {  	_ =	shalt  }
0x63: {  	_ =	shalt  }
0x64: {  	_ =	shalt  }
0x65: {  	_ =	shalt  }
0x66: {  	_ =	shalt  }
0x67: {  	_ =	shalt  }
0x68: {  	_ =	shalt  }
0x69: {  	_ =	shalt  }
0x6a: {  	_ =	shalt  }
0x6b: {  	_ =	shalt  }
0x6c: {  	_ =	shalt  }
0x6d: {  	_ =	shalt  }
0x6e: {  	_ =	shalt  }
0x6f: {  	_ =	shalt  }
0x70: {  	_ =	shalt  }
0x71: {  	_ =	shalt  }
0x72: {  	_ =	shalt  }
0x73: {  	_ =	shalt  }
0x74: {  	_ =	shalt  }
0x75: {  	_ =	shalt  }
0x76: {  	_ =	shalt  }
0x77: {  	_ =	shalt  }
0x78: {  	_ =	shalt  }
0x79: {  	_ =	shalt  }
0x7a: {  	_ =	shalt  }
0x7b: {  	_ =	shalt  }
0x7c: {  	_ =	shalt  }
0x7d: {  	_ =	shalt  }
0x7e: {  	_ =	shalt  }
0x7f: {  	_ =	shalt  }
0x80: {  	_ =	shalt  }
0x81: {  	_ =	shalt  }
0x82: {  	_ =	shalt  }
0x83: {  	_ =	shalt  }
0x84: {  	_ =	shalt  }
0x85: {  	_ =	shalt  }
0x86: {  	_ =	shalt  }
0x87: {  	_ =	shalt  }
.Lfunc_end0:
.L_simem_size_0:
called_computation.1_lowered:
.L_overlay_start_0:
0x88: {  	s2 =	sld [smem:$0x3FD9]  }
0x89: {  	s3 =	sld [smem:$0x3FFE];
	_ =	sdelay $0x1  }
0x8a: {  	s1 =	srdreg.scid  }
0x8b: {  	s0 =	sand.u32 $0x1, s1  }
0x8c: {  	s16 =	sshll.u32 s0, $0xA;
	s2 =	sadd.s32 s3, s2  }
0x8d: {  	s2 =	sadd.s32 s2, s16  }
0x8e: {  	[smem:$0x3FBF] =	sst s2  }
0x8f: {  	_ = 	snop  }
0x90: {  	(tm) =	ssettm $0x1  }
0x91: {  	s17 =	sld [smem:$0x3FFB];
	_ =	sdelay $0x3  }
0x92: {  	_ =	strace s17  }
0x93: {  	s2 =	sld [smem:$0x3FFC];
	_ =	sdelay $0x3  }
0x94: {  	_ =	strace s2  }
0x95: {  	s2 =	sld [smem:$0x3FFD];
	_ =	sdelay $0x3  }
0x96: {  	_ =	strace s2  }
0x97: {  	_ =	strace $0x8FFFFFFF  }
0x98: {  	s18 =	sld [smem:$0x3FDB];
	_ =	sdelay $0x1  }
0x99: {  	s19 =	simm.s32 $_scs_section_size  }
0x9a: {  	s4 =	simm.s32 $_size__tile_overlayer_lowered;
	s5 =	simm.s32 $_tile_overlayer_lowered  }
0x9b: {  	s22 =	simm.s32 $0x1BFF;
	s21 =	sshll.u32 s5, $0x1;
	s2 =	sadd.s32 s19, s18  }
0x9c: {  	s6 =	simm.s32 $0x0;
	s20 =	sshll.u32 s4, $0x1;
	s4 =	sadd.s32 s21, s2  }
0x9d: {  	[timem:s6], [sflag:s22] =	dma.local [hbm:s4], s20  }
0x9e: {  	_ =	swait.ge [sflag:s22], s20  }
0x9f: {  	s3 =	ssub.s32 $0x0, s20;
	[sflag:s22] =	ssyncset.done $0x0  }
0xa0: {  	[sflag:s22] =	ssyncadd.s32 s3;
	_ =	sdelay $0x1  }
0xa1: {  	s23 =	simm.s32 $0x1B8B  }
0xa2: {  	_ =	swait.ge [sflag:s23], $0x1  }
0xa3: {  	[sflag:s23] =	ssyncset.done $0x0  }
0xa4: {  	s25 =	simm.s32 $0x1B8E;
	s24 =	sld [smem:$0x3FFE];
	[sflag:s23] =	ssyncadd.s32 $0xFFFFFFFF  }
0xa5: {  	s26 =	simm.s32 $execute0_lowered;
	[smem:$0x3FD2] =	sst s25  }
0xa6: {  	s4 =	sshll.u32 s26, $0x1;
	_ =	strace $0x80000049;
	[dreg:$0x1] =	wrdreg $0xFFFFFFFF  }
0xa7: {  	s28 =	simm.s32 $_size_execute0_lowered;
	s2 =	sadd.s32 s2, s4;
	[dreg:$0x0] =	wrdreg $0x0  }
0xa8: {  	s4 =	sshll.u32 s28, $0x1;
	[dreg:$0x2] =	wrdreg s2  }
0xa9: {  	[dreg:$0x3] =	wrdreg s4  }
0xaa: {  	[dreg:$0x4] =	wrdreg $0xC0  }
0xab: {  	_ =	task [dreg:s6], $0x5FFFF  }
0xac: {  	[dreg:$0x1] =	wrdreg $0xFFFFFFFF  }
0xad: {  	[dreg:$0x0] =	wrdreg $0x60  }
0xae: {  	[dreg:$0x2] =	wrdreg s24  }
0xaf: {  	[dreg:$0x3] =	wrdreg $0x14D000  }
0xb0: {  	[dreg:$0x4] =	wrdreg $0x9  }
0xb1: {  	_ =	task.clear_ibuf [dreg:s6], $0x5FFFF;
	_ =	strace $0x90000049  }
0xb2: {  	s29 =	simm.s32 $0x9;
	_ =	strace $0x8000004B  }
0xb3: {  	_ =	swait.ge [sflag:s29], $0x1  }
0xb4: {  	[sflag:s29] =	ssyncadd.s32 $0xFFFFFFFF  }
0xb5: {  	_ =	strace $0x9000004B  }
0xb6: {  	_ =	sfence  }
0xb7: {  	s30 =	sld [smem:$0x0];
	_ =	sdelay $0x2  }
0xb8: {  	s31 =	sshll.u32 s1, $0xD;
	s1 =	sshrl.u32 s1, $0x2  }
0xb9: {  	s3 =	sand.u32 $0x4000, s31;
	s1 =	sadd.s32 s1, s30  }
0xba: {  	s0 =	sor.u32 s3, s0;
	s1 =	sshll.u32 s1, $0x11  }
0xbb: {  	s0 =	sor.u32 s1, s0  }
0xbc: {  	s0 =	sadd.s32 $0x8F2B, s0  }
0xbd: {  	[sflag:s0] =	ssyncadd.remote.s32 $0x1  }
0xbe: {  	_ =	sfence.sel $0xFFFF  }
0xbf: {  	[dreg:$0x0] =	wrdreg $0xFFFFFFFF;
	(pc) =	sbr.abs _section_cstart, $3  }
0xc0: {  	[dreg:$0x1] =	wrdreg $0xFFFFFFFF  }
0xc1: {  	_ =	task.clear_ibuf [dreg:s6], $0x2FFFF;
	_ =	strace $0x9FFFFFFF  }
0xc2: {  	(tm) =	ssettm $0x7FFFFFFF  }
0xc3: {  	_ =	shalt  }
tec
execute0_lowered:
.L_overlay_start_1:
0x0: {  	(tag) =	ssettag $0x1  }
0x1: {  	s1 =	srdreg.scid;
	s6 =	rddreg [dreg:$0x0]  }
0x2: {  	s0 =	stileid.u32;
	s2 =	rddreg [dreg:$0x1]  }
0x3: {  	s3 =	simm.s32 $0x0;
	s15 =	simm.s32 $0x4;
	s16 =	simm.s32 $0x4F00  }
0x4: {  	s17 =	simm.s32 $0x80;
	s18 =	simm.s32 $0x6F00;
	s19 =	simm.s32 $0xAF00  }
0x5: {  	s20 =	simm.s32 $0x0;
	s5 =	sand.u32 $0x1, s1;
	s8 =	smul.u32 $0x9E00, s0  }
0x6: {  	s29 =	sshll.u32 s0, $0x1;
	[smem:$0x7FF] =	sst s3;
	s11 =	smul.u32 $0x27800, s0  }
0x7: {  	s4 =	sadd.s32 $0x1A800, s6;
	s1 =	sor.u32 s5, s29;
	s9 =	smul.u32 $0x9E000, s5  }
0x8: {  	_ =	strace $0x8000004A;
	s10 =	ssub.s32 $0x2, s5;
	s5 =	sadd.s32 $0xB600, s6  }
0x9: {  	s7 =	smul.u32 $0x4F0, s1;
	s30 =	sshrl.u32 s10, $0x1;
	s31 =	sshrl.u32 s11, $0x2  }
0xa: {  	s9 =	sadd.s32 s8, s9;
	s14 =	ssub.s32 s10, s30;
	s8 =	sadd.s32 s8, s2  }
0xb: {  	s12 =	sadd.s32 s31, s2;
	s7 =	sadd.s32 s7, s6;
	s9 =	sshrl.u32 s9, $0x3  }
0xc: {  	s10 =	sadd.s32 $0x4000, s12;
	s11 =	sadd.s32 $0x6000, s12;
	s14 =	smax.u32 s14, $0x1  }
0xd: {  	s13 =	sadd.s32 s9, s6;
	s6 =	sadd.s32 $0x10A00, s7;
	s7 =	sadd.s32 $0x1800, s7  }
0xe: {  	s9 =	sadd.s32 $0x2000, s12;
	s12 =	sadd.s32 $0x8000, s12;
	s13 =	sadd.s32 $0x2E200, s13  }
.LBB2_1:
0xf: {  	[tilespmem:s3], [sflag:$0x4] =	stream.linear.gather [hbm4b:s6+s3], $0x2780, $0x38;
	[tilespmem:$0x1EB00] =	vst v63  }
0x10: {  	_ =	swait.ge [sflag:s15], $0x2780  }
0x11: {  	[sflag:s15] =	ssyncset.done $0x0  }
0x12: {  	s22 =	simm.s32 $0x2780;
	[sflag:s15] =	ssyncadd.s32 $0xFFFFD880  }
0x13: {  	[tilespmem:s22], [sflag:$0x4] =	stream.linear.gather [hbm4b:s7+s3], $0x2780, $0x38;
	[tilespmem:$0x1EB00] =	vst v63  }
0x14: {  	_ =	swait.ge [sflag:s15], $0x2780  }
0x15: {  	[sflag:s15] =	ssyncset.done $0x0  }
0x16: {  	[sflag:s15] =	ssyncadd.s32 $0xFFFFD880  }
0x17: {  	[tilespmem:s16], [sflag:$0x4] =	stream.linear.gather [hbm4b:s5+s3], $0x2000, $0x38;
	[tilespmem:$0x1EB00] =	vst v63  }
0x18: {  	_ =	swait.ge [sflag:s15], $0x2000  }
0x19: {  	[sflag:s15] =	ssyncset.done $0x0  }
0x1a: {  	[sflag:s15] =	ssyncadd.s32 $0xFFFFE000  }
0x1b: {  	[spmem:s8] =	stream.linear.scatter [tilespmem:s16], [sflag:$0x4], $0x2000, $0x38;
	[tilespmem:$0x1EB00] =	vst v63  }
0x1c: {  	_ =	swait.ge [sflag:s15], $0x2000  }
0x1d: {  	[sflag:s15] =	ssyncset.done $0x0  }
0x1e: {  	[sflag:s15] =	ssyncadd.s32 $0xFFFFE000  }
0x1f: {  	[spmem:s9] =	stream.linear.scatter [tilespmem:s16], [sflag:$0x4], $0x2000, $0x38;
	[tilespmem:$0x1EB00] =	vst v63  }
0x20: {  	_ =	swait.ge [sflag:s15], $0x2000  }
0x21: {  	[sflag:s15] =	ssyncset.done $0x0  }
0x22: {  	[sflag:s15] =	ssyncadd.s32 $0xFFFFE000  }
0x23: {  	[spmem:s10] =	stream.linear.scatter [tilespmem:s16], [sflag:$0x4], $0x2000, $0x38;
	[tilespmem:$0x1EB00] =	vst v63  }
0x24: {  	_ =	swait.ge [sflag:s15], $0x2000  }
0x25: {  	s21 =	simm.s32 $0x0;
	[sflag:s15] =	ssyncset.done $0x0  }
0x26: {  	s21 =	smul.u32 $0xAB, s21;
	[sflag:s15] =	ssyncadd.s32 $0xFFFFE000  }
0x27: {  	[spmem:s11] =	stream.linear.scatter [tilespmem:s16], [sflag:$0x4], $0x2000, $0x38;
	[tilespmem:$0x1EB00] =	vst v63  }
0x28: {  	_ =	swait.ge [sflag:s15], $0x2000  }
0x29: {  	s21 =	sshrl.u32 s21, $0x9;
	[sflag:s15] =	ssyncset.done $0x0  }
0x2a: {  	s21 =	sand.u32 $0x7F, s21;
	[sflag:s15] =	ssyncadd.s32 $0xFFFFE000  }
0x2b: {  	[spmem:s12] =	stream.linear.scatter [tilespmem:s16], [sflag:$0x4], $0x1E00, $0x38;
	[tilespmem:$0x1EB00] =	vst v63  }
0x2c: {  	s21 =	smul.u32 $0x3, s21;
	_ =	swait.ge [sflag:s15], $0x1E00  }
0x2d: {  	[sflag:s15] =	ssyncset.done $0x0  }
0x2e: {  	s24 =	simm.s32 $0x2;
	s21 =	ssub.s32 $0x0, s21;
	[sflag:s15] =	ssyncadd.s32 $0xFFFFE200  }
0x2f: {  	p0 =	por $0x0, $0x0;
	s26 =	sand.u32 $0xFF, s21;
	[bflag:$0x0] =	sbarrier.arrive $0xFFFF  }
0x30: {  	[tilespmem:s16], [sflag:$0x1] =	stream.indirect.gather [hbm4b:s4+s17], $0x40, s3, s17, $0xb8;
	[tilespmem:$0x1EB00] =	vst v63  }
0x31: {  	s23 =	simm.s32 $0x100;
	s24 =	smul.u32 @!p0 $0xAB, s24;
	s28 =	sadd.s32 $0x1, s26  }
0x32: {  	[tilespmem:s18], [sflag:$0x2] =	stream.indirect.gather [hbm4b:s4+s17], $0x40, s17, s17, $0xb8;
	[tilespmem:$0x1EB00] =	vst v63  }
0x33: {  	s25 =	simm.s32 $0x4;
	s24 =	sshrl.u32 @!p0 s24, $0x9;
	_ =	swait.ge [sflag:s28], $0x2000  }
0x34: {  	s24 =	sand.u32 @!p0 $0x7F, s24;
	s26 =	sshll.u32 s26, $0xD;
	[sflag:s28] =	ssyncset.done $0x0  }
0x35: {  	s21 =	simm.s32 $0x3;
	s26 =	sadd.s32 $0x4F00, s26;
	[sflag:s28] =	ssyncadd.s32 $0xFFFFE000  }
0x36: {  	[spmem:s2] =	stream.indirect.scatter.add.f32 [tilespmem:s26], [sflag:$0x4], $0x40, s22, s17, $0xb8;
	[tilespmem:$0x1EB00] =	vst v63  }
0x37: {  	s26 =	simm.s32 $0x1;
	s22 =	smul.u32 @!p0 $0x3, s24;
	_ =	swait.ge [sflag:s15], $0x2000  }
0x38: {  	s24 =	simm.s32 $0x2800;
	s28 =	smul.u32 $0xAB, s26;
	[sflag:s15] =	ssyncset.done $0x0  }
0x39: {  	s29 =	ssub.s32 @!p0 $0x2, s22;
	s22 =	simm.s32 $0x180;
	[sflag:s15] =	ssyncadd.s32 $0xFFFFE000  }
.LBB2_2:
0x3a: {  	s28 =	sshrl.u32 s28, $0x9;
	s29 =	sand.u32 @!p0 $0xFF, s29  }
0x3b: {  	s30 =	simm.s32 @!p0 $0x80;
	s31 =	smov.u32 s21;
	s21 =	smov.u32 s25  }
0x3c: {  	s28 =	sand.u32 $0x7F, s28;
	s1 =	sshll.u32 @!p0 s29, $0xD;
	s29 =	sadd.s32 @!p0 $0x1, s29  }
0x3d: {  	s25 =	sadd.s32 $0x1, s25;
	s28 =	smul.u32 $0x3, s28;
	s1 =	sadd.s32 @!p0 $0x4F00, s1  }
0x3e: {  	[tilespmem:s1], [sflag:s29] =	stream.indirect.gather @!p0 [hbm4b:s4+s30], $0x40, s23, s30, $0xb8;
	[tilespmem:$0x1EB00] =	vst v63  }
0x3f: {  	p1 =	sne.s32 s25, $0x51;
	s23 =	smov.u32 s22;
	s1 =	ssub.s32 s26, s28  }
0x40: {  	p0 =	sgt.u32 s26, $0x4C;
	s1 =	sand.u32 $0xFF, s1  }
0x41: {  	s28 =	smul.u32 @!p0 $0xAB, s31;
	s26 =	sshll.u32 s1, $0xD;
	s1 =	sadd.s32 $0x1, s1  }
0x42: {  	_ =	swait.ge [sflag:s1], $0x2000  }
0x43: {  	s28 =	sshrl.u32 @!p0 s28, $0x9;
	s26 =	sadd.s32 $0x4F00, s26;
	[sflag:s1] =	ssyncset.done $0x0  }
.Ltmp0:
0x44: {  	[sflag:s1] =	ssyncadd.s32 $0xFFFFE000;
	s1 =	sand.u32 @!p0 $0x7F, s28;
	(pc) =	sbr.rel @p1 .LBB2_2-.Ltmp0, $4  }
0x45: {  	[spmem:s2] =	stream.indirect.scatter.add.f32 [tilespmem:s26], [sflag:$0x4], $0x40, s24, s17, $0xb8;
	[tilespmem:$0x1EB00] =	vst v63  }
0x46: {  	s26 =	sadd.s32 $0xFFFFFFFE, s21;
	s1 =	smul.u32 @!p0 $0x3, s1;
	_ =	swait.ge [sflag:s15], $0x2000  }
0x47: {  	s24 =	sadd.s32 $0x80, s24;
	s28 =	smul.u32 $0xAB, s26;
	[sflag:s15] =	ssyncset.done $0x0  }
0x48: {  	s22 =	sadd.s32 $0x80, s22;
	s29 =	ssub.s32 @!p0 s31, s1;
	[sflag:s15] =	ssyncadd.s32 $0xFFFFE000  }
0x49: {  	s1 =	sshrl.u32 s28, $0x9;
	s25 =	sand.u32 @!p0 $0xFF, s29  }
0x4a: {  	s28 =	simm.s32 @!p0 $0x80;
	s1 =	sand.u32 $0x7F, s1;
	s29 =	sshll.u32 @!p0 s25, $0xD  }
0x4b: {  	s25 =	sadd.s32 @!p0 $0x1, s25;
	s1 =	smul.u32 $0x3, s1;
	s29 =	sadd.s32 @!p0 $0x4F00, s29  }
0x4c: {  	[tilespmem:s29], [sflag:s25] =	stream.indirect.gather @!p0 [hbm4b:s4+s28], $0x40, s23, s28, $0xb8;
	[tilespmem:$0x1EB00] =	vst v63  }
0x4d: {  	p0 =	sgt.u32 s26, $0x4C;
	s1 =	ssub.s32 s26, s1  }
0x4e: {  	s23 =	smul.u32 @!p0 $0xAB, s21;
	s1 =	sand.u32 $0xFF, s1  }
0x4f: {  	s31 =	sadd.s32 $0x1, s1  }
0x50: {  	s23 =	sshrl.u32 @!p0 s23, $0x9;
	_ =	swait.ge [sflag:s31], $0x2000  }
0x51: {  	s1 =	sshll.u32 s1, $0xD;
	s23 =	sand.u32 @!p0 $0x7F, s23;
	[sflag:s31] =	ssyncset.done $0x0  }
0x52: {  	s1 =	sadd.s32 $0x4F00, s1;
	s23 =	smul.u32 @!p0 $0x3, s23;
	[sflag:s31] =	ssyncadd.s32 $0xFFFFE000  }
0x53: {  	[spmem:s2] =	stream.indirect.scatter.add.f32 [tilespmem:s1], [sflag:$0x4], $0x40, s24, s17, $0xb8;
	[tilespmem:$0x1EB00] =	vst v63  }
0x54: {  	s1 =	ssub.s32 @!p0 s21, s23  }
0x55: {  	_ =	swait.ge [sflag:s15], $0x2000;
	s1 =	sand.u32 @!p0 $0xFF, s1  }
0x56: {  	s23 =	simm.s32 @!p0 $0x80;
	[sflag:s15] =	ssyncset.done $0x0;
	s21 =	sshll.u32 @!p0 s1, $0xD  }
0x57: {  	s1 =	sadd.s32 @!p0 $0x1, s1;
	[sflag:s15] =	ssyncadd.s32 $0xFFFFE000;
	s21 =	sadd.s32 @!p0 $0x4F00, s21  }
0x58: {  	[tilespmem:s21], [sflag:s1] =	stream.indirect.gather @!p0 [hbm4b:s4+s23], $0x40, s22, s23, $0xb8;
	[tilespmem:$0x1EB00] =	vst v63  }
0x59: {  	[bflag:$0x0] =	sbarrier.arrive $0xFFFF  }
0x5a: {  	[tilespmem:s19], [sflag:$0x4] =	stream.linear.gather [spmem:s8], $0x9E00, $0x38;
	[tilespmem:$0x1EB00] =	vst v63  }
0x5b: {  	s20 =	sadd.s32 $0x1, s20;
	_ =	swait.ge [sflag:s15], $0x9E00  }
0x5c: {  	p0 =	sne.s32 s20, s14;
	[sflag:s15] =	ssyncset.done $0x0  }
.Ltmp1:
0x5d: {  	[sflag:s15] =	ssyncadd.s32 $0xFFFF6200;
	(pc) =	sbr.rel @p0 .LBB2_1-.Ltmp1, $4  }
0x5e: {  	[hbm4b:s13+s3] =	stream.linear.scatter [tilespmem:s19], [sflag:$0x4], $0x9E00, $0x38;
	[tilespmem:$0x1EB00] =	vst v63  }
0x5f: {  	_ =	swait.ge [sflag:s15], $0x9E00  }
0x60: {  	[sflag:s15] =	ssyncset.done $0x0  }
0x61: {  	[sflag:s15] =	ssyncadd.s32 $0xFFFF6200  }
0x62: {  	_ =	sfence.sel $0x180000  }
0x63: {  	[bflag:$0x0] =	sbarrier.arrive $0xFFFF  }
0x64: {  	_ =	strace $0x9000004A  }
0x65: {  	[bflag:$0x2] =	sbarrier.arrive $0xFFFF  }
0x66: {  	p0 =	sne.s32 s0, $0x0;
	s0 =	rddreg [dreg:$0x2]  }
0x67: {  	s0 =	sadd.s32 @!p0 $0x100000, s0  }
0x68: {  	[sflag:s0] =	ssyncadd.tile.s32 @!p0 $0x1;
	_ =	shalt  }
.Lfunc_end2:
_tile_overlayer_lowered:
.L_overlay_start_2:
0x69: {  	(tag) =	ssettag $0x2  }
0x6a: {  	s0 =	rddreg [dreg:$0x0];
	s2 =	stileid.u32  }
0x6b: {  	s1 =	rddreg [dreg:$0x1];
	p0 =	sne.s32 s2, $0x0  }
0x6c: {  	s3 =	rddreg [dreg:$0x2];
	[bflag:$0x3] =	sbarrier.arrive $0xFFFF;
	s2 =	simm.s32 @!p0 $0x1C04  }
0x6d: {  	[timem:s3], [sflag:s2] =	dma.local @!p0 [hbm:s0], s1  }
0x6e: {  	s0 =	simm.s32 @!p0 $0x4  }
0x6f: {  	_ =	swait.ge @!p0 [sflag:s0], s1  }
0x70: {  	s1 =	ssub.s32 @!p0 $0x0, s1;
	[sflag:s0] =	ssyncset.done @!p0 $0x0  }
0x71: {  	[sflag:s0] =	ssyncadd.s32 @!p0 s1  }
0x72: {  	[bflag:$0x3] =	sbarrier.arrive $0xFFFF  }
0x73: {  	_ =	shalt  }

// kernel: kernel.14.cloned.1.call-start
scs
__scs_entry_jumppad:
0x0: {  	(pc) =	sbr.rel $0x88, $3  }
0x1: {  	(tag) =	ssettag $0x0;
	lr =	simm.s32 $0x1  }
0x2: {  	[smem:$0x3F98] =	sst lr;
	_ =	strace $0xD0000000  }
0x3: {  	_ = 	snop  }
0x4: {  	_ = 	snop  }
0x5: {  	_ = 	snop  }
0x6: {  	_ = 	snop  }
0x7: {  	_ = 	snop  }
__scs_overlays_trampoline_lowered:
0x8: {  	[smem:$0x3FA7] =	sst s0  }
0x9: {  	[smem:$0x3FA8] =	sst s1  }
0xa: {  	[smem:$0x3FA9] =	sst s2  }
0xb: {  	[smem:$0x3FAA] =	sst s3  }
0xc: {  	[smem:$0x3FAB] =	sst s4  }
0xd: {  	[smem:$0x3FAC] =	sst s5  }
0xe: {  	[smem:$0x3FAD] =	sst s6  }
0xf: {  	[smem:$0x3FAE] =	sst s7  }
0x10: {  	[smem:$0x3FAF] =	sst s8  }
0x11: {  	[smem:$0x3FB0] =	sst s9;
	s0 =	simm.s32 @!p0 $0x0  }
0x12: {  	s1 =	sld [smem:$0x3F96];
	s0 =	simm.s32 @p0 $0x1  }
0x13: {  	[smem:$0x3FB1] =	sst s0;
	s0 =	simm.s32 @!p1 $0x0  }
0x14: {  	s2 =	sld [smem:$0x3F95];
	s0 =	simm.s32 @p1 $0x1  }
0x15: {  	[smem:$0x3FB2] =	sst s0;
	s0 =	simm.s32 @!p2 $0x0  }
0x16: {  	s3 =	sld [smem:$0x3FDB];
	s0 =	simm.s32 @p2 $0x1  }
0x17: {  	s4 =	simm.s32 $0x1BF5;
	[smem:$0x3FB4] =	sst s0  }
0x18: {  	s0 =	sld [smem:$0x3F97];
	_ =	swait.ge [sflag:s4], $0x0  }
0x19: {  	s7 =	sld [smem:$0x3F98]  }
0x1a: {  	s8 =	sadd.s32 $0xFFFFE003, lr  }
0x1b: {  	s9 =	sadd.s32 $0xFFFFFEF7, lr;
	s5 =	simm.s32 $0xFFFFFFFF;
	p2 =	slt.u32 s8, $0xFFFFF086  }
0x1c: {  	p1 =	slt.u32 s9, $0xF7A;
	s5 =	simm.s32 @!p2 $0x0  }
0x1d: {  	s5 =	simm.s32 @p1 $0x1;
	p0 =	seq.s32 s7, s2  }
0x1e: {  	s7 =	smul.u32 @!p0 $0xF7A, s2;
	p2 =	seq.s32 @!p0 s5, $0x0  }
0x1f: {  	s9 =	smul.u32 $0xF7A, s1;
	s8 =	simm.s32 @!p0 $0x1BF5;
	p2 =	por !p2, p0  }
0x20: {  	[sflag:s8] =	ssyncset.s32 @!p0 $0xFFFFF086;
	s6 =	sadd.s32 @!p0 s3, s7;
	s7 =	simm.s32 @!p0 $0x108  }
0x21: {  	s3 =	sadd.s32 s3, s9;
	s6 =	sadd.s32 @!p0 $0x88, s6;
	s7 =	simm.s32 @p2 $0x1082  }
0x22: {  	[simem:s7], [sflag:s8] =	dma.local @!p0 [hbm:s6], $0xF7A  }
0x23: {  	s9 =	sor.u32 $0xD0000000, s2;
	s6 =	simm.s32 $0x108;
	_ =	swait.ge @!p0 [sflag:s8], $0x0  }
0x24: {  	s3 =	sadd.s32 $0x88, s3;
	s6 =	simm.s32 @!p1 $0x1082;
	[sflag:s4] =	ssyncset.s32 $0xFFFFF086  }
0x25: {  	[simem:s6], [sflag:s4] =	dma.local [hbm:s3], $0xF7A  }
0x26: {  	[smem:$0x3F98] =	sst s1;
	(tag) =	ssettag s2;
	_ =	strace s9  }
0x27: {  	s1 =	sld [smem:$0x3FA8]  }
0x28: {  	s2 =	sld [smem:$0x3FA9]  }
0x29: {  	s4 =	sld [smem:$0x3FAB]  }
0x2a: {  	p0 =	seq.s32 s5, $0x0;
	s5 =	sld [smem:$0x3FAC]  }
0x2b: {  	s6 =	sld [smem:$0x3FAD]  }
0x2c: {  	s7 =	sld [smem:$0x3FAE]  }
0x2d: {  	s3 =	simm.s32 $0x108;
	s8 =	sld [smem:$0x3FAF]  }
0x2e: {  	s3 =	simm.s32 @!p0 $0x1082;
	s9 =	sld [smem:$0x3FB0]  }
0x2f: {  	lr =	sadd.s32 s0, s3;
	s0 =	sld [smem:$0x3FA7]  }
0x30: {  	s3 =	sld [smem:$0x3FAA]  }
0x31: {  	[smem:$0x3FB3] =	sst s10  }
0x32: {  	s10 =	sld [smem:$0x3FB1];
	_ =	sdelay $0x3  }
0x33: {  	p0 =	seq.s32 s10, $0x1;
	s10 =	sld [smem:$0x3FB3];
	_ =	sdelay $0x3  }
0x34: {  	[smem:$0x3FB3] =	sst s10  }
0x35: {  	s10 =	sld [smem:$0x3FB2];
	_ =	sdelay $0x3  }
0x36: {  	p1 =	seq.s32 s10, $0x1;
	s10 =	sld [smem:$0x3FB3];
	_ =	sdelay $0x3  }
0x37: {  	[smem:$0x3FB3] =	sst s10  }
0x38: {  	s10 =	sld [smem:$0x3FB4]  }
0x39: {  	_ = 	snop;
	(pc) =	sbr.ind lr, $3  }
0x3a: {  	_ = 	snop  }
0x3b: {  	_ = 	snop  }
0x3c: {  	p2 =	seq.s32 s10, $0x1;
	s10 =	sld [smem:$0x3FB3]  }
0x3d: {  	_ =	shalt  }
0x3e: {  	_ =	shalt  }
0x3f: {  	_ =	shalt  }
0x40: {  	_ =	shalt  }
0x41: {  	_ =	shalt  }
0x42: {  	_ =	shalt  }
0x43: {  	_ =	shalt  }
0x44: {  	_ =	shalt  }
0x45: {  	_ =	shalt  }
0x46: {  	_ =	shalt  }
0x47: {  	_ =	shalt  }
0x48: {  	_ =	shalt  }
0x49: {  	_ =	shalt  }
0x4a: {  	_ =	shalt  }
0x4b: {  	_ =	shalt  }
0x4c: {  	_ =	shalt  }
0x4d: {  	_ =	shalt  }
0x4e: {  	_ =	shalt  }
0x4f: {  	_ =	shalt  }
0x50: {  	_ =	shalt  }
0x51: {  	_ =	shalt  }
0x52: {  	_ =	shalt  }
0x53: {  	_ =	shalt  }
0x54: {  	_ =	shalt  }
0x55: {  	_ =	shalt  }
0x56: {  	_ =	shalt  }
0x57: {  	_ =	shalt  }
0x58: {  	_ =	shalt  }
0x59: {  	_ =	shalt  }
0x5a: {  	_ =	shalt  }
0x5b: {  	_ =	shalt  }
0x5c: {  	_ =	shalt  }
0x5d: {  	_ =	shalt  }
0x5e: {  	_ =	shalt  }
0x5f: {  	_ =	shalt  }
0x60: {  	_ =	shalt  }
0x61: {  	_ =	shalt  }
0x62: {  	_ =	shalt  }
0x63: {  	_ =	shalt  }
0x64: {  	_ =	shalt  }
0x65: {  	_ =	shalt  }
0x66: {  	_ =	shalt  }
0x67: {  	_ =	shalt  }
0x68: {  	_ =	shalt  }
0x69: {  	_ =	shalt  }
0x6a: {  	_ =	shalt  }
0x6b: {  	_ =	shalt  }
0x6c: {  	_ =	shalt  }
0x6d: {  	_ =	shalt  }
0x6e: {  	_ =	shalt  }
0x6f: {  	_ =	shalt  }
0x70: {  	_ =	shalt  }
0x71: {  	_ =	shalt  }
0x72: {  	_ =	shalt  }
0x73: {  	_ =	shalt  }
0x74: {  	_ =	shalt  }
0x75: {  	_ =	shalt  }
0x76: {  	_ =	shalt  }
0x77: {  	_ =	shalt  }
0x78: {  	_ =	shalt  }
0x79: {  	_ =	shalt  }
0x7a: {  	_ =	shalt  }
0x7b: {  	_ =	shalt  }
0x7c: {  	_ =	shalt  }
0x7d: {  	_ =	shalt  }
0x7e: {  	_ =	shalt  }
0x7f: {  	_ =	shalt  }
0x80: {  	_ =	shalt  }
0x81: {  	_ =	shalt  }
0x82: {  	_ =	shalt  }
0x83: {  	_ =	shalt  }
0x84: {  	_ =	shalt  }
0x85: {  	_ =	shalt  }
0x86: {  	_ =	shalt  }
0x87: {  	_ =	shalt  }
.Lfunc_end0:
.L_simem_size_0:
called_computation.2_lowered:
.L_overlay_start_0:
0x88: {  	s2 =	sld [smem:$0x3FD9]  }
0x89: {  	s3 =	sld [smem:$0x3FFE];
	_ =	sdelay $0x1  }
0x8a: {  	s1 =	srdreg.scid  }
0x8b: {  	s0 =	sand.u32 $0x1, s1  }
0x8c: {  	s16 =	sshll.u32 s0, $0xA;
	s2 =	sadd.s32 s3, s2  }
0x8d: {  	s2 =	sadd.s32 s2, s16  }
0x8e: {  	[smem:$0x3FBF] =	sst s2  }
0x8f: {  	_ = 	snop  }
0x90: {  	(tm) =	ssettm $0x1  }
0x91: {  	s17 =	sld [smem:$0x3FFB];
	_ =	sdelay $0x3  }
0x92: {  	_ =	strace s17  }
0x93: {  	s2 =	sld [smem:$0x3FFC];
	_ =	sdelay $0x3  }
0x94: {  	_ =	strace s2  }
0x95: {  	s2 =	sld [smem:$0x3FFD];
	_ =	sdelay $0x3  }
0x96: {  	_ =	strace s2  }
0x97: {  	_ =	strace $0x8FFFFFFF  }
0x98: {  	s18 =	sld [smem:$0x3FDB];
	_ =	sdelay $0x1  }
0x99: {  	s19 =	simm.s32 $_scs_section_size  }
0x9a: {  	s4 =	simm.s32 $_size__tile_overlayer_lowered;
	s5 =	simm.s32 $_tile_overlayer_lowered  }
0x9b: {  	s22 =	simm.s32 $0x1BFF;
	s21 =	sshll.u32 s5, $0x1;
	s2 =	sadd.s32 s19, s18  }
0x9c: {  	s6 =	simm.s32 $0x0;
	s20 =	sshll.u32 s4, $0x1;
	s4 =	sadd.s32 s21, s2  }
0x9d: {  	[timem:s6], [sflag:s22] =	dma.local [hbm:s4], s20  }
0x9e: {  	_ =	swait.ge [sflag:s22], s20  }
0x9f: {  	s3 =	ssub.s32 $0x0, s20;
	[sflag:s22] =	ssyncset.done $0x0  }
0xa0: {  	[sflag:s22] =	ssyncadd.s32 s3;
	_ =	sdelay $0x1  }
0xa1: {  	s23 =	simm.s32 $0x1B8B  }
0xa2: {  	_ =	swait.ge [sflag:s23], $0x1  }
0xa3: {  	[sflag:s23] =	ssyncset.done $0x0  }
0xa4: {  	s25 =	simm.s32 $0x1B8E;
	s24 =	sld [smem:$0x3FFE];
	[sflag:s23] =	ssyncadd.s32 $0xFFFFFFFF  }
0xa5: {  	s26 =	simm.s32 $execute0_lowered;
	[smem:$0x3FD2] =	sst s25  }
0xa6: {  	s4 =	sshll.u32 s26, $0x1;
	_ =	strace $0x8000004C;
	[dreg:$0x1] =	wrdreg $0xFFFFFFFF  }
0xa7: {  	s28 =	simm.s32 $_size_execute0_lowered;
	s2 =	sadd.s32 s2, s4;
	[dreg:$0x0] =	wrdreg $0x0  }
0xa8: {  	s4 =	sshll.u32 s28, $0x1;
	[dreg:$0x2] =	wrdreg s2  }
0xa9: {  	[dreg:$0x3] =	wrdreg s4  }
0xaa: {  	[dreg:$0x4] =	wrdreg $0xC0  }
0xab: {  	_ =	task [dreg:s6], $0x5FFFF  }
0xac: {  	[dreg:$0x1] =	wrdreg $0xFFFFFFFF  }
0xad: {  	[dreg:$0x0] =	wrdreg $0x60  }
0xae: {  	[dreg:$0x2] =	wrdreg s24  }
0xaf: {  	[dreg:$0x3] =	wrdreg $0x14D000  }
0xb0: {  	[dreg:$0x4] =	wrdreg $0x9  }
0xb1: {  	_ =	task.clear_ibuf [dreg:s6], $0x5FFFF;
	_ =	strace $0x9000004C  }
0xb2: {  	s29 =	simm.s32 $0x9;
	_ =	strace $0x8000004E  }
0xb3: {  	_ =	swait.ge [sflag:s29], $0x1  }
0xb4: {  	[sflag:s29] =	ssyncadd.s32 $0xFFFFFFFF  }
0xb5: {  	_ =	strace $0x9000004E  }
0xb6: {  	_ =	sfence  }
0xb7: {  	s30 =	sld [smem:$0x0];
	_ =	sdelay $0x2  }
0xb8: {  	s31 =	sshll.u32 s1, $0xD;
	s1 =	sshrl.u32 s1, $0x2  }
0xb9: {  	s3 =	sand.u32 $0x4000, s31;
	s1 =	sadd.s32 s1, s30  }
0xba: {  	s0 =	sor.u32 s3, s0;
	s1 =	sshll.u32 s1, $0x11  }
0xbb: {  	s0 =	sor.u32 s1, s0  }
0xbc: {  	s0 =	sadd.s32 $0x8F2B, s0  }
0xbd: {  	[sflag:s0] =	ssyncadd.remote.s32 $0x1  }
0xbe: {  	_ =	sfence.sel $0xFFFF  }
0xbf: {  	[dreg:$0x0] =	wrdreg $0xFFFFFFFF;
	(pc) =	sbr.abs _section_cstart, $3  }
0xc0: {  	[dreg:$0x1] =	wrdreg $0xFFFFFFFF  }
0xc1: {  	_ =	task.clear_ibuf [dreg:s6], $0x2FFFF;
	_ =	strace $0x9FFFFFFF  }
0xc2: {  	(tm) =	ssettm $0x7FFFFFFF  }
0xc3: {  	_ =	shalt  }
tec
execute0_lowered:
.L_overlay_start_1:
0x0: {  	(tag) =	ssettag $0x1  }
0x1: {  	s1 =	srdreg.scid;
	s6 =	rddreg [dreg:$0x0]  }
0x2: {  	s0 =	stileid.u32;
	s2 =	rddreg [dreg:$0x1]  }
0x3: {  	s3 =	simm.s32 $0x0;
	s15 =	simm.s32 $0x4;
	s16 =	simm.s32 $0x4F00  }
0x4: {  	s17 =	simm.s32 $0x80;
	s18 =	simm.s32 $0x6F00;
	s19 =	simm.s32 $0xAF00  }
0x5: {  	s20 =	simm.s32 $0x0;
	s5 =	sand.u32 $0x1, s1;
	s8 =	smul.u32 $0x9E00, s0  }
0x6: {  	s29 =	sshll.u32 s0, $0x1;
	[smem:$0x7FF] =	sst s3;
	s11 =	smul.u32 $0x27800, s0  }
0x7: {  	s4 =	sadd.s32 $0x1A800, s6;
	s1 =	sor.u32 s5, s29;
	s9 =	smul.u32 $0x9E000, s5  }
0x8: {  	_ =	strace $0x8000004D;
	s10 =	ssub.s32 $0x2, s5;
	s5 =	sadd.s32 $0xB600, s6  }
0x9: {  	s7 =	smul.u32 $0x4F0, s1;
	s30 =	sshrl.u32 s10, $0x1;
	s31 =	sshrl.u32 s11, $0x2  }
0xa: {  	s9 =	sadd.s32 s8, s9;
	s14 =	ssub.s32 s10, s30;
	s8 =	sadd.s32 s8, s2  }
0xb: {  	s12 =	sadd.s32 s31, s2;
	s7 =	sadd.s32 s7, s6;
	s9 =	sshrl.u32 s9, $0x3  }
0xc: {  	s10 =	sadd.s32 $0x4000, s12;
	s11 =	sadd.s32 $0x6000, s12;
	s14 =	smax.u32 s14, $0x1  }
0xd: {  	s13 =	sadd.s32 s9, s6;
	s6 =	sadd.s32 $0x10A00, s7;
	s7 =	sadd.s32 $0x1800, s7  }
0xe: {  	s9 =	sadd.s32 $0x2000, s12;
	s12 =	sadd.s32 $0x8000, s12;
	s13 =	sadd.s32 $0x2E200, s13  }
.LBB2_1:
0xf: {  	[tilespmem:s3], [sflag:$0x4] =	stream.linear.gather [hbm4b:s6+s3], $0x2780, $0x38;
	[tilespmem:$0x1EB00] =	vst v63  }
0x10: {  	_ =	swait.ge [sflag:s15], $0x2780  }
0x11: {  	[sflag:s15] =	ssyncset.done $0x0  }
0x12: {  	s22 =	simm.s32 $0x2780;
	[sflag:s15] =	ssyncadd.s32 $0xFFFFD880  }
0x13: {  	[tilespmem:s22], [sflag:$0x4] =	stream.linear.gather [hbm4b:s7+s3], $0x2780, $0x38;
	[tilespmem:$0x1EB00] =	vst v63  }
0x14: {  	_ =	swait.ge [sflag:s15], $0x2780  }
0x15: {  	[sflag:s15] =	ssyncset.done $0x0  }
0x16: {  	[sflag:s15] =	ssyncadd.s32 $0xFFFFD880  }
0x17: {  	[tilespmem:s16], [sflag:$0x4] =	stream.linear.gather [hbm4b:s5+s3], $0x2000, $0x38;
	[tilespmem:$0x1EB00] =	vst v63  }
0x18: {  	_ =	swait.ge [sflag:s15], $0x2000  }
0x19: {  	[sflag:s15] =	ssyncset.done $0x0  }
0x1a: {  	[sflag:s15] =	ssyncadd.s32 $0xFFFFE000  }
0x1b: {  	[spmem:s8] =	stream.linear.scatter [tilespmem:s16], [sflag:$0x4], $0x2000, $0x38;
	[tilespmem:$0x1EB00] =	vst v63  }
0x1c: {  	_ =	swait.ge [sflag:s15], $0x2000  }
0x1d: {  	[sflag:s15] =	ssyncset.done $0x0  }
0x1e: {  	[sflag:s15] =	ssyncadd.s32 $0xFFFFE000  }
0x1f: {  	[spmem:s9] =	stream.linear.scatter [tilespmem:s16], [sflag:$0x4], $0x2000, $0x38;
	[tilespmem:$0x1EB00] =	vst v63  }
0x20: {  	_ =	swait.ge [sflag:s15], $0x2000  }
0x21: {  	[sflag:s15] =	ssyncset.done $0x0  }
0x22: {  	[sflag:s15] =	ssyncadd.s32 $0xFFFFE000  }
0x23: {  	[spmem:s10] =	stream.linear.scatter [tilespmem:s16], [sflag:$0x4], $0x2000, $0x38;
	[tilespmem:$0x1EB00] =	vst v63  }
0x24: {  	_ =	swait.ge [sflag:s15], $0x2000  }
0x25: {  	s21 =	simm.s32 $0x0;
	[sflag:s15] =	ssyncset.done $0x0  }
0x26: {  	s21 =	smul.u32 $0xAB, s21;
	[sflag:s15] =	ssyncadd.s32 $0xFFFFE000  }
0x27: {  	[spmem:s11] =	stream.linear.scatter [tilespmem:s16], [sflag:$0x4], $0x2000, $0x38;
	[tilespmem:$0x1EB00] =	vst v63  }
0x28: {  	_ =	swait.ge [sflag:s15], $0x2000  }
0x29: {  	s21 =	sshrl.u32 s21, $0x9;
	[sflag:s15] =	ssyncset.done $0x0  }
0x2a: {  	s21 =	sand.u32 $0x7F, s21;
	[sflag:s15] =	ssyncadd.s32 $0xFFFFE000  }
0x2b: {  	[spmem:s12] =	stream.linear.scatter [tilespmem:s16], [sflag:$0x4], $0x1E00, $0x38;
	[tilespmem:$0x1EB00] =	vst v63  }
0x2c: {  	s21 =	smul.u32 $0x3, s21;
	_ =	swait.ge [sflag:s15], $0x1E00  }
0x2d: {  	[sflag:s15] =	ssyncset.done $0x0  }
0x2e: {  	s24 =	simm.s32 $0x2;
	s21 =	ssub.s32 $0x0, s21;
	[sflag:s15] =	ssyncadd.s32 $0xFFFFE200  }
0x2f: {  	p0 =	por $0x0, $0x0;
	s26 =	sand.u32 $0xFF, s21;
	[bflag:$0x0] =	sbarrier.arrive $0xFFFF  }
0x30: {  	[tilespmem:s16], [sflag:$0x1] =	stream.indirect.gather [hbm4b:s4+s17], $0x40, s3, s17, $0xb8;
	[tilespmem:$0x1EB00] =	vst v63  }
0x31: {  	s23 =	simm.s32 $0x100;
	s24 =	smul.u32 @!p0 $0xAB, s24;
	s28 =	sadd.s32 $0x1, s26  }
0x32: {  	[tilespmem:s18], [sflag:$0x2] =	stream.indirect.gather [hbm4b:s4+s17], $0x40, s17, s17, $0xb8;
	[tilespmem:$0x1EB00] =	vst v63  }
0x33: {  	s25 =	simm.s32 $0x4;
	s24 =	sshrl.u32 @!p0 s24, $0x9;
	_ =	swait.ge [sflag:s28], $0x2000  }
0x34: {  	s24 =	sand.u32 @!p0 $0x7F, s24;
	s26 =	sshll.u32 s26, $0xD;
	[sflag:s28] =	ssyncset.done $0x0  }
0x35: {  	s21 =	simm.s32 $0x3;
	s26 =	sadd.s32 $0x4F00, s26;
	[sflag:s28] =	ssyncadd.s32 $0xFFFFE000  }
0x36: {  	[spmem:s2] =	stream.indirect.scatter.add.f32 [tilespmem:s26], [sflag:$0x4], $0x40, s22, s17, $0xb8;
	[tilespmem:$0x1EB00] =	vst v63  }
0x37: {  	s26 =	simm.s32 $0x1;
	s22 =	smul.u32 @!p0 $0x3, s24;
	_ =	swait.ge [sflag:s15], $0x2000  }
0x38: {  	s24 =	simm.s32 $0x2800;
	s28 =	smul.u32 $0xAB, s26;
	[sflag:s15] =	ssyncset.done $0x0  }
0x39: {  	s29 =	ssub.s32 @!p0 $0x2, s22;
	s22 =	simm.s32 $0x180;
	[sflag:s15] =	ssyncadd.s32 $0xFFFFE000  }
.LBB2_2:
0x3a: {  	s28 =	sshrl.u32 s28, $0x9;
	s29 =	sand.u32 @!p0 $0xFF, s29  }
0x3b: {  	s30 =	simm.s32 @!p0 $0x80;
	s31 =	smov.u32 s21;
	s21 =	smov.u32 s25  }
0x3c: {  	s28 =	sand.u32 $0x7F, s28;
	s1 =	sshll.u32 @!p0 s29, $0xD;
	s29 =	sadd.s32 @!p0 $0x1, s29  }
0x3d: {  	s25 =	sadd.s32 $0x1, s25;
	s28 =	smul.u32 $0x3, s28;
	s1 =	sadd.s32 @!p0 $0x4F00, s1  }
0x3e: {  	[tilespmem:s1], [sflag:s29] =	stream.indirect.gather @!p0 [hbm4b:s4+s30], $0x40, s23, s30, $0xb8;
	[tilespmem:$0x1EB00] =	vst v63  }
0x3f: {  	p1 =	sne.s32 s25, $0x51;
	s23 =	smov.u32 s22;
	s1 =	ssub.s32 s26, s28  }
0x40: {  	p0 =	sgt.u32 s26, $0x4C;
	s1 =	sand.u32 $0xFF, s1  }
0x41: {  	s28 =	smul.u32 @!p0 $0xAB, s31;
	s26 =	sshll.u32 s1, $0xD;
	s1 =	sadd.s32 $0x1, s1  }
0x42: {  	_ =	swait.ge [sflag:s1], $0x2000  }
0x43: {  	s28 =	sshrl.u32 @!p0 s28, $0x9;
	s26 =	sadd.s32 $0x4F00, s26;
	[sflag:s1] =	ssyncset.done $0x0  }
.Ltmp0:
0x44: {  	[sflag:s1] =	ssyncadd.s32 $0xFFFFE000;
	s1 =	sand.u32 @!p0 $0x7F, s28;
	(pc) =	sbr.rel @p1 .LBB2_2-.Ltmp0, $4  }
0x45: {  	[spmem:s2] =	stream.indirect.scatter.add.f32 [tilespmem:s26], [sflag:$0x4], $0x40, s24, s17, $0xb8;
	[tilespmem:$0x1EB00] =	vst v63  }
0x46: {  	s26 =	sadd.s32 $0xFFFFFFFE, s21;
	s1 =	smul.u32 @!p0 $0x3, s1;
	_ =	swait.ge [sflag:s15], $0x2000  }
0x47: {  	s24 =	sadd.s32 $0x80, s24;
	s28 =	smul.u32 $0xAB, s26;
	[sflag:s15] =	ssyncset.done $0x0  }
0x48: {  	s22 =	sadd.s32 $0x80, s22;
	s29 =	ssub.s32 @!p0 s31, s1;
	[sflag:s15] =	ssyncadd.s32 $0xFFFFE000  }
0x49: {  	s1 =	sshrl.u32 s28, $0x9;
	s25 =	sand.u32 @!p0 $0xFF, s29  }
0x4a: {  	s28 =	simm.s32 @!p0 $0x80;
	s1 =	sand.u32 $0x7F, s1;
	s29 =	sshll.u32 @!p0 s25, $0xD  }
0x4b: {  	s25 =	sadd.s32 @!p0 $0x1, s25;
	s1 =	smul.u32 $0x3, s1;
	s29 =	sadd.s32 @!p0 $0x4F00, s29  }
0x4c: {  	[tilespmem:s29], [sflag:s25] =	stream.indirect.gather @!p0 [hbm4b:s4+s28], $0x40, s23, s28, $0xb8;
	[tilespmem:$0x1EB00] =	vst v63  }
0x4d: {  	p0 =	sgt.u32 s26, $0x4C;
	s1 =	ssub.s32 s26, s1  }
0x4e: {  	s23 =	smul.u32 @!p0 $0xAB, s21;
	s1 =	sand.u32 $0xFF, s1  }
0x4f: {  	s31 =	sadd.s32 $0x1, s1  }
0x50: {  	s23 =	sshrl.u32 @!p0 s23, $0x9;
	_ =	swait.ge [sflag:s31], $0x2000  }
0x51: {  	s1 =	sshll.u32 s1, $0xD;
	s23 =	sand.u32 @!p0 $0x7F, s23;
	[sflag:s31] =	ssyncset.done $0x0  }
0x52: {  	s1 =	sadd.s32 $0x4F00, s1;
	s23 =	smul.u32 @!p0 $0x3, s23;
	[sflag:s31] =	ssyncadd.s32 $0xFFFFE000  }
0x53: {  	[spmem:s2] =	stream.indirect.scatter.add.f32 [tilespmem:s1], [sflag:$0x4], $0x40, s24, s17, $0xb8;
	[tilespmem:$0x1EB00] =	vst v63  }
0x54: {  	s1 =	ssub.s32 @!p0 s21, s23  }
0x55: {  	_ =	swait.ge [sflag:s15], $0x2000;
	s1 =	sand.u32 @!p0 $0xFF, s1  }
0x56: {  	s23 =	simm.s32 @!p0 $0x80;
	[sflag:s15] =	ssyncset.done $0x0;
	s21 =	sshll.u32 @!p0 s1, $0xD  }
0x57: {  	s1 =	sadd.s32 @!p0 $0x1, s1;
	[sflag:s15] =	ssyncadd.s32 $0xFFFFE000;
	s21 =	sadd.s32 @!p0 $0x4F00, s21  }
0x58: {  	[tilespmem:s21], [sflag:s1] =	stream.indirect.gather @!p0 [hbm4b:s4+s23], $0x40, s22, s23, $0xb8;
	[tilespmem:$0x1EB00] =	vst v63  }
0x59: {  	[bflag:$0x0] =	sbarrier.arrive $0xFFFF  }
0x5a: {  	[tilespmem:s19], [sflag:$0x4] =	stream.linear.gather [spmem:s8], $0x9E00, $0x38;
	[tilespmem:$0x1EB00] =	vst v63  }
0x5b: {  	s20 =	sadd.s32 $0x1, s20;
	_ =	swait.ge [sflag:s15], $0x9E00  }
0x5c: {  	p0 =	sne.s32 s20, s14;
	[sflag:s15] =	ssyncset.done $0x0  }
.Ltmp1:
0x5d: {  	[sflag:s15] =	ssyncadd.s32 $0xFFFF6200;
	(pc) =	sbr.rel @p0 .LBB2_1-.Ltmp1, $4  }
0x5e: {  	[hbm4b:s13+s3] =	stream.linear.scatter [tilespmem:s19], [sflag:$0x4], $0x9E00, $0x38;
	[tilespmem:$0x1EB00] =	vst v63  }
0x5f: {  	_ =	swait.ge [sflag:s15], $0x9E00  }
0x60: {  	[sflag:s15] =	ssyncset.done $0x0  }
0x61: {  	[sflag:s15] =	ssyncadd.s32 $0xFFFF6200  }
0x62: {  	_ =	sfence.sel $0x180000  }
0x63: {  	[bflag:$0x0] =	sbarrier.arrive $0xFFFF  }
0x64: {  	_ =	strace $0x9000004D  }
0x65: {  	[bflag:$0x2] =	sbarrier.arrive $0xFFFF  }
0x66: {  	p0 =	sne.s32 s0, $0x0;
	s0 =	rddreg [dreg:$0x2]  }
0x67: {  	s0 =	sadd.s32 @!p0 $0x100000, s0  }
0x68: {  	[sflag:s0] =	ssyncadd.tile.s32 @!p0 $0x1;
	_ =	shalt  }
.Lfunc_end2:
_tile_overlayer_lowered:
.L_overlay_start_2:
0x69: {  	(tag) =	ssettag $0x2  }
0x6a: {  	s0 =	rddreg [dreg:$0x0];
	s2 =	stileid.u32  }
0x6b: {  	s1 =	rddreg [dreg:$0x1];
	p0 =	sne.s32 s2, $0x0  }
0x6c: {  	s3 =	rddreg [dreg:$0x2];
	[bflag:$0x3] =	sbarrier.arrive $0xFFFF;
	s2 =	simm.s32 @!p0 $0x1C04  }
0x6d: {  	[timem:s3], [sflag:s2] =	dma.local @!p0 [hbm:s0], s1  }
0x6e: {  	s0 =	simm.s32 @!p0 $0x4  }
0x6f: {  	_ =	swait.ge @!p0 [sflag:s0], s1  }
0x70: {  	s1 =	ssub.s32 @!p0 $0x0, s1;
	[sflag:s0] =	ssyncset.done @!p0 $0x0  }
0x71: {  	[sflag:s0] =	ssyncadd.s32 @!p0 s1  }
0x72: {  	[bflag:$0x3] =	sbarrier.arrive $0xFFFF  }
0x73: {  	_ =	shalt  }

// kernel: kernel.8.cloned.1.call-start
scs
__scs_entry_jumppad:
0x0: {  	(pc) =	sbr.rel $0x88, $3  }
0x1: {  	(tag) =	ssettag $0x0;
	lr =	simm.s32 $0x1  }
0x2: {  	[smem:$0x3F98] =	sst lr;
	_ =	strace $0xD0000000  }
0x3: {  	_ = 	snop  }
0x4: {  	_ = 	snop  }
0x5: {  	_ = 	snop  }
0x6: {  	_ = 	snop  }
0x7: {  	_ = 	snop  }
__scs_overlays_trampoline_lowered:
0x8: {  	[smem:$0x3FA7] =	sst s0  }
0x9: {  	[smem:$0x3FA8] =	sst s1  }
0xa: {  	[smem:$0x3FA9] =	sst s2  }
0xb: {  	[smem:$0x3FAA] =	sst s3  }
0xc: {  	[smem:$0x3FAB] =	sst s4  }
0xd: {  	[smem:$0x3FAC] =	sst s5  }
0xe: {  	[smem:$0x3FAD] =	sst s6  }
0xf: {  	[smem:$0x3FAE] =	sst s7  }
0x10: {  	[smem:$0x3FAF] =	sst s8  }
0x11: {  	[smem:$0x3FB0] =	sst s9;
	s0 =	simm.s32 @!p0 $0x0  }
0x12: {  	s1 =	sld [smem:$0x3F96];
	s0 =	simm.s32 @p0 $0x1  }
0x13: {  	[smem:$0x3FB1] =	sst s0;
	s0 =	simm.s32 @!p1 $0x0  }
0x14: {  	s2 =	sld [smem:$0x3F95];
	s0 =	simm.s32 @p1 $0x1  }
0x15: {  	[smem:$0x3FB2] =	sst s0;
	s0 =	simm.s32 @!p2 $0x0  }
0x16: {  	s3 =	sld [smem:$0x3FDB];
	s0 =	simm.s32 @p2 $0x1  }
0x17: {  	s4 =	simm.s32 $0x1BF5;
	[smem:$0x3FB4] =	sst s0  }
0x18: {  	s0 =	sld [smem:$0x3F97];
	_ =	swait.ge [sflag:s4], $0x0  }
0x19: {  	s7 =	sld [smem:$0x3F98]  }
0x1a: {  	s8 =	sadd.s32 $0xFFFFE003, lr  }
0x1b: {  	s9 =	sadd.s32 $0xFFFFFEF7, lr;
	s5 =	simm.s32 $0xFFFFFFFF;
	p2 =	slt.u32 s8, $0xFFFFF086  }
0x1c: {  	p1 =	slt.u32 s9, $0xF7A;
	s5 =	simm.s32 @!p2 $0x0  }
0x1d: {  	s5 =	simm.s32 @p1 $0x1;
	p0 =	seq.s32 s7, s2  }
0x1e: {  	s7 =	smul.u32 @!p0 $0xF7A, s2;
	p2 =	seq.s32 @!p0 s5, $0x0  }
0x1f: {  	s9 =	smul.u32 $0xF7A, s1;
	s8 =	simm.s32 @!p0 $0x1BF5;
	p2 =	por !p2, p0  }
0x20: {  	[sflag:s8] =	ssyncset.s32 @!p0 $0xFFFFF086;
	s6 =	sadd.s32 @!p0 s3, s7;
	s7 =	simm.s32 @!p0 $0x108  }
0x21: {  	s3 =	sadd.s32 s3, s9;
	s6 =	sadd.s32 @!p0 $0x88, s6;
	s7 =	simm.s32 @p2 $0x1082  }
0x22: {  	[simem:s7], [sflag:s8] =	dma.local @!p0 [hbm:s6], $0xF7A  }
0x23: {  	s9 =	sor.u32 $0xD0000000, s2;
	s6 =	simm.s32 $0x108;
	_ =	swait.ge @!p0 [sflag:s8], $0x0  }
0x24: {  	s3 =	sadd.s32 $0x88, s3;
	s6 =	simm.s32 @!p1 $0x1082;
	[sflag:s4] =	ssyncset.s32 $0xFFFFF086  }
0x25: {  	[simem:s6], [sflag:s4] =	dma.local [hbm:s3], $0xF7A  }
0x26: {  	[smem:$0x3F98] =	sst s1;
	(tag) =	ssettag s2;
	_ =	strace s9  }
0x27: {  	s1 =	sld [smem:$0x3FA8]  }
0x28: {  	s2 =	sld [smem:$0x3FA9]  }
0x29: {  	s4 =	sld [smem:$0x3FAB]  }
0x2a: {  	p0 =	seq.s32 s5, $0x0;
	s5 =	sld [smem:$0x3FAC]  }
0x2b: {  	s6 =	sld [smem:$0x3FAD]  }
0x2c: {  	s7 =	sld [smem:$0x3FAE]  }
0x2d: {  	s3 =	simm.s32 $0x108;
	s8 =	sld [smem:$0x3FAF]  }
0x2e: {  	s3 =	simm.s32 @!p0 $0x1082;
	s9 =	sld [smem:$0x3FB0]  }
0x2f: {  	lr =	sadd.s32 s0, s3;
	s0 =	sld [smem:$0x3FA7]  }
0x30: {  	s3 =	sld [smem:$0x3FAA]  }
0x31: {  	[smem:$0x3FB3] =	sst s10  }
0x32: {  	s10 =	sld [smem:$0x3FB1];
	_ =	sdelay $0x3  }
0x33: {  	p0 =	seq.s32 s10, $0x1;
	s10 =	sld [smem:$0x3FB3];
	_ =	sdelay $0x3  }
0x34: {  	[smem:$0x3FB3] =	sst s10  }
0x35: {  	s10 =	sld [smem:$0x3FB2];
	_ =	sdelay $0x3  }
0x36: {  	p1 =	seq.s32 s10, $0x1;
	s10 =	sld [smem:$0x3FB3];
	_ =	sdelay $0x3  }
0x37: {  	[smem:$0x3FB3] =	sst s10  }
0x38: {  	s10 =	sld [smem:$0x3FB4]  }
0x39: {  	_ = 	snop;
	(pc) =	sbr.ind lr, $3  }
0x3a: {  	_ = 	snop  }
0x3b: {  	_ = 	snop  }
0x3c: {  	p2 =	seq.s32 s10, $0x1;
	s10 =	sld [smem:$0x3FB3]  }
0x3d: {  	_ =	shalt  }
0x3e: {  	_ =	shalt  }
0x3f: {  	_ =	shalt  }
0x40: {  	_ =	shalt  }
0x41: {  	_ =	shalt  }
0x42: {  	_ =	shalt  }
0x43: {  	_ =	shalt  }
0x44: {  	_ =	shalt  }
0x45: {  	_ =	shalt  }
0x46: {  	_ =	shalt  }
0x47: {  	_ =	shalt  }
0x48: {  	_ =	shalt  }
0x49: {  	_ =	shalt  }
0x4a: {  	_ =	shalt  }
0x4b: {  	_ =	shalt  }
0x4c: {  	_ =	shalt  }
0x4d: {  	_ =	shalt  }
0x4e: {  	_ =	shalt  }
0x4f: {  	_ =	shalt  }
0x50: {  	_ =	shalt  }
0x51: {  	_ =	shalt  }
0x52: {  	_ =	shalt  }
0x53: {  	_ =	shalt  }
0x54: {  	_ =	shalt  }
0x55: {  	_ =	shalt  }
0x56: {  	_ =	shalt  }
0x57: {  	_ =	shalt  }
0x58: {  	_ =	shalt  }
0x59: {  	_ =	shalt  }
0x5a: {  	_ =	shalt  }
0x5b: {  	_ =	shalt  }
0x5c: {  	_ =	shalt  }
0x5d: {  	_ =	shalt  }
0x5e: {  	_ =	shalt  }
0x5f: {  	_ =	shalt  }
0x60: {  	_ =	shalt  }
0x61: {  	_ =	shalt  }
0x62: {  	_ =	shalt  }
0x63: {  	_ =	shalt  }
0x64: {  	_ =	shalt  }
0x65: {  	_ =	shalt  }
0x66: {  	_ =	shalt  }
0x67: {  	_ =	shalt  }
0x68: {  	_ =	shalt  }
0x69: {  	_ =	shalt  }
0x6a: {  	_ =	shalt  }
0x6b: {  	_ =	shalt  }
0x6c: {  	_ =	shalt  }
0x6d: {  	_ =	shalt  }
0x6e: {  	_ =	shalt  }
0x6f: {  	_ =	shalt  }
0x70: {  	_ =	shalt  }
0x71: {  	_ =	shalt  }
0x72: {  	_ =	shalt  }
0x73: {  	_ =	shalt  }
0x74: {  	_ =	shalt  }
0x75: {  	_ =	shalt  }
0x76: {  	_ =	shalt  }
0x77: {  	_ =	shalt  }
0x78: {  	_ =	shalt  }
0x79: {  	_ =	shalt  }
0x7a: {  	_ =	shalt  }
0x7b: {  	_ =	shalt  }
0x7c: {  	_ =	shalt  }
0x7d: {  	_ =	shalt  }
0x7e: {  	_ =	shalt  }
0x7f: {  	_ =	shalt  }
0x80: {  	_ =	shalt  }
0x81: {  	_ =	shalt  }
0x82: {  	_ =	shalt  }
0x83: {  	_ =	shalt  }
0x84: {  	_ =	shalt  }
0x85: {  	_ =	shalt  }
0x86: {  	_ =	shalt  }
0x87: {  	_ =	shalt  }
.Lfunc_end0:
.L_simem_size_0:
called_computation_lowered:
.L_overlay_start_0:
0x88: {  	s2 =	sld [smem:$0x3FD9]  }
0x89: {  	s3 =	sld [smem:$0x3FFE];
	_ =	sdelay $0x1  }
0x8a: {  	s1 =	srdreg.scid  }
0x8b: {  	s0 =	sand.u32 $0x1, s1  }
0x8c: {  	s16 =	sshll.u32 s0, $0xA;
	s2 =	sadd.s32 s3, s2  }
0x8d: {  	s2 =	sadd.s32 s2, s16  }
0x8e: {  	[smem:$0x3FBF] =	sst s2  }
0x8f: {  	_ = 	snop  }
0x90: {  	(tm) =	ssettm $0x1  }
0x91: {  	s17 =	sld [smem:$0x3FFB];
	_ =	sdelay $0x3  }
0x92: {  	_ =	strace s17  }
0x93: {  	s2 =	sld [smem:$0x3FFC];
	_ =	sdelay $0x3  }
0x94: {  	_ =	strace s2  }
0x95: {  	s2 =	sld [smem:$0x3FFD];
	_ =	sdelay $0x3  }
0x96: {  	_ =	strace s2  }
0x97: {  	_ =	strace $0x8FFFFFFF  }
0x98: {  	s18 =	sld [smem:$0x3FDB];
	_ =	sdelay $0x1  }
0x99: {  	s19 =	simm.s32 $_scs_section_size  }
0x9a: {  	s4 =	simm.s32 $_size__tile_overlayer_lowered;
	s5 =	simm.s32 $_tile_overlayer_lowered  }
0x9b: {  	s22 =	simm.s32 $0x1BFF;
	s21 =	sshll.u32 s5, $0x1;
	s2 =	sadd.s32 s19, s18  }
0x9c: {  	s6 =	simm.s32 $0x0;
	s20 =	sshll.u32 s4, $0x1;
	s4 =	sadd.s32 s21, s2  }
0x9d: {  	[timem:s6], [sflag:s22] =	dma.local [hbm:s4], s20  }
0x9e: {  	_ =	swait.ge [sflag:s22], s20  }
0x9f: {  	s3 =	ssub.s32 $0x0, s20;
	[sflag:s22] =	ssyncset.done $0x0  }
0xa0: {  	[sflag:s22] =	ssyncadd.s32 s3;
	_ =	sdelay $0x1  }
0xa1: {  	s23 =	simm.s32 $0x1B8B  }
0xa2: {  	_ =	swait.ge [sflag:s23], $0x1  }
0xa3: {  	[sflag:s23] =	ssyncset.done $0x0  }
0xa4: {  	s25 =	simm.s32 $0x1B8E;
	s24 =	sld [smem:$0x3FFE];
	[sflag:s23] =	ssyncadd.s32 $0xFFFFFFFF  }
0xa5: {  	s26 =	simm.s32 $execute0_lowered;
	[smem:$0x3FD2] =	sst s25  }
0xa6: {  	s4 =	sshll.u32 s26, $0x1;
	_ =	strace $0x80000046;
	[dreg:$0x1] =	wrdreg $0xFFFFFFFF  }
0xa7: {  	s28 =	simm.s32 $_size_execute0_lowered;
	s2 =	sadd.s32 s2, s4;
	[dreg:$0x0] =	wrdreg $0x0  }
0xa8: {  	s4 =	sshll.u32 s28, $0x1;
	[dreg:$0x2] =	wrdreg s2  }
0xa9: {  	[dreg:$0x3] =	wrdreg s4  }
0xaa: {  	[dreg:$0x4] =	wrdreg $0xC0  }
0xab: {  	_ =	task [dreg:s6], $0x5FFFF  }
0xac: {  	[dreg:$0x1] =	wrdreg $0xFFFFFFFF  }
0xad: {  	[dreg:$0x0] =	wrdreg $0x60  }
0xae: {  	[dreg:$0x2] =	wrdreg s24  }
0xaf: {  	[dreg:$0x3] =	wrdreg $0x3F400  }
0xb0: {  	[dreg:$0x4] =	wrdreg $0x9  }
0xb1: {  	_ =	task.clear_ibuf [dreg:s6], $0x5FFFF;
	_ =	strace $0x90000046  }
0xb2: {  	s29 =	simm.s32 $0x9;
	_ =	strace $0x80000048  }
0xb3: {  	_ =	swait.ge [sflag:s29], $0x1  }
0xb4: {  	[sflag:s29] =	ssyncadd.s32 $0xFFFFFFFF  }
0xb5: {  	_ =	strace $0x90000048  }
0xb6: {  	_ =	sfence  }
0xb7: {  	s30 =	sld [smem:$0x0];
	_ =	sdelay $0x2  }
0xb8: {  	s31 =	sshll.u32 s1, $0xD;
	s1 =	sshrl.u32 s1, $0x2  }
0xb9: {  	s3 =	sand.u32 $0x4000, s31;
	s1 =	sadd.s32 s1, s30  }
0xba: {  	s0 =	sor.u32 s3, s0;
	s1 =	sshll.u32 s1, $0x11  }
0xbb: {  	s0 =	sor.u32 s1, s0  }
0xbc: {  	s0 =	sadd.s32 $0x8F2B, s0  }
0xbd: {  	[sflag:s0] =	ssyncadd.remote.s32 $0x1  }
0xbe: {  	_ =	sfence.sel $0xFFFF  }
0xbf: {  	[dreg:$0x0] =	wrdreg $0xFFFFFFFF;
	(pc) =	sbr.abs _section_cstart, $3  }
0xc0: {  	[dreg:$0x1] =	wrdreg $0xFFFFFFFF  }
0xc1: {  	_ =	task.clear_ibuf [dreg:s6], $0x2FFFF;
	_ =	strace $0x9FFFFFFF  }
0xc2: {  	(tm) =	ssettm $0x7FFFFFFF  }
0xc3: {  	_ =	shalt  }
tec
execute0_lowered:
.L_overlay_start_1:
0x0: {  	(tag) =	ssettag $0x1  }
0x1: {  	s1 =	srdreg.scid;
	s6 =	rddreg [dreg:$0x0]  }
0x2: {  	s0 =	stileid.u32;
	s2 =	rddreg [dreg:$0x1];
	s3 =	simm.s32 $0x0  }
0x3: {  	s12 =	simm.s32 $0x2B80;
	s13 =	simm.s32 $0x80;
	s14 =	simm.s32 $0x0  }
0x4: {  	s4 =	sand.u32 $0x1, s1;
	s29 =	sshll.u32 s0, $0x1;
	s7 =	smul.u32 $0x13C0, s0  }
0x5: {  	[smem:$0x7FF] =	sst s3;
	s1 =	sor.u32 s4, s29;
	s8 =	smul.u32 $0x13C00, s4  }
0x6: {  	s31 =	ssub.s32 $0x2, s4;
	s4 =	sadd.s32 $0x1600, s6;
	s5 =	smul.u32 $0x4F0, s1  }
0x7: {  	s1 =	rddreg [dreg:$0x2];
	_ =	strace $0x80000047;
	s11 =	sshrl.u32 s31, $0x1  }
0x8: {  	s30 =	sadd.s32 s7, s8;
	s11 =	ssub.s32 s31, s11;
	s7 =	sadd.s32 s7, s2  }
0x9: {  	s9 =	sadd.s32 s5, s6;
	s10 =	sshrl.u32 s30, $0x3;
	s5 =	sadd.s32 $0xB600, s6  }
0xa: {  	s10 =	sadd.s32 s10, s6;
	s6 =	sadd.s32 $0x1800, s9;
	s9 =	smax.u32 s11, $0x1  }
0xb: {  	s11 =	simm.s32 $0x2780;
	s8 =	sadd.s32 $0xBA00, s10;
	s10 =	simm.s32 $0x1  }
.LBB2_1:
0xc: {  	[tilespmem:s3], [sflag:$0x1] =	stream.linear.gather [hbm4b:s6+s3], $0x2780, $0x38;
	[tilespmem:$0x5300] =	vst v63  }
0xd: {  	_ =	swait.ge [sflag:s10], $0x2780  }
0xe: {  	[sflag:s10] =	ssyncset.done $0x0  }
0xf: {  	[sflag:s10] =	ssyncadd.s32 $0xFFFFD880  }
0x10: {  	[tilespmem:s11], [sflag:$0x1] =	stream.linear.gather [hbm4b:s4+s3], $0x400, $0x38;
	[tilespmem:$0x5300] =	vst v63  }
0x11: {  	_ =	swait.ge [sflag:s10], $0x400  }
0x12: {  	[sflag:s10] =	ssyncset.done $0x0  }
0x13: {  	[sflag:s10] =	ssyncadd.s32 $0xFFFFFC00  }
0x14: {  	[tilespmem:s12], [sflag:$0x1] =	stream.linear.gather [hbm4b:s5+s3], $0x13C0, $0x38;
	[tilespmem:$0x5300] =	vst v63  }
0x15: {  	_ =	swait.ge [sflag:s10], $0x13C0  }
0x16: {  	[sflag:s10] =	ssyncset.done $0x0  }
0x17: {  	[sflag:s10] =	ssyncadd.s32 $0xFFFFEC40  }
0x18: {  	[spmem:s7] =	stream.linear.scatter [tilespmem:s12], [sflag:$0x1], $0x13C0, $0x38;
	[tilespmem:$0x5300] =	vst v63  }
0x19: {  	_ =	swait.ge [sflag:s10], $0x13C0  }
0x1a: {  	[sflag:s10] =	ssyncset.done $0x0  }
0x1b: {  	[sflag:s10] =	ssyncadd.s32 $0xFFFFEC40  }
0x1c: {  	s15 =	simm.s32 $0x0;
	[bflag:$0x0] =	sbarrier.arrive $0xFFFF  }
0x1d: {  	[spmem:s2] =	stream.indirect.scatter.add.f32 [tilespmem:s11], [sflag:$0x1], $0x8, s15, s13, $0xb8;
	[tilespmem:$0x5300] =	vst v63  }
0x1e: {  	_ =	swait.ge [sflag:s10], $0x400  }
0x1f: {  	s15 =	simm.s32 $0x200;
	[sflag:s10] =	ssyncset.done $0x0  }
.LBB2_2:
0x20: {  	s16 =	sshra.s32 s15, $0x2;
	[sflag:s10] =	ssyncadd.s32 $0xFFFFFC00;
	p0 =	sne.s32 s15, $0x9C00  }
0x21: {  	[spmem:s2] =	stream.indirect.scatter.add.f32 [tilespmem:s11], [sflag:$0x1], $0x8, s16, s13, $0xb8;
	[tilespmem:$0x5300] =	vst v63  }
.Ltmp0:
0x22: {  	_ = 	snop;
	(pc) =	sbr.rel @p0 .LBB2_2-.Ltmp0, $4  }
0x23: {  	_ = 	snop  }
0x24: {  	s15 =	sadd.s32 $0x200, s15  }
0x25: {  	_ =	swait.ge [sflag:s10], $0x400  }
0x26: {  	[sflag:s10] =	ssyncset.done $0x0  }
0x27: {  	[sflag:s10] =	ssyncadd.s32 $0xFFFFFC00  }
0x28: {  	[bflag:$0x0] =	sbarrier.arrive $0xFFFF  }
0x29: {  	[tilespmem:s12], [sflag:$0x1] =	stream.linear.gather [spmem:s7], $0x13C0, $0x38;
	[tilespmem:$0x5300] =	vst v63  }
0x2a: {  	s14 =	sadd.s32 $0x1, s14;
	_ =	swait.ge [sflag:s10], $0x13C0  }
0x2b: {  	p0 =	sne.s32 s14, s9;
	[sflag:s10] =	ssyncset.done $0x0  }
.Ltmp1:
0x2c: {  	[sflag:s10] =	ssyncadd.s32 $0xFFFFEC40;
	(pc) =	sbr.rel @p0 .LBB2_1-.Ltmp1, $4  }
0x2d: {  	[hbm4b:s8+s3] =	stream.linear.scatter [tilespmem:s12], [sflag:$0x1], $0x13C0, $0x38;
	[tilespmem:$0x5300] =	vst v63  }
0x2e: {  	_ =	swait.ge [sflag:s10], $0x13C0  }
0x2f: {  	[sflag:s10] =	ssyncset.done $0x0  }
0x30: {  	[sflag:s10] =	ssyncadd.s32 $0xFFFFEC40  }
0x31: {  	_ =	sfence.sel $0x180000  }
0x32: {  	[bflag:$0x0] =	sbarrier.arrive $0xFFFF  }
0x33: {  	p0 =	sne.s32 s0, $0x0;
	_ =	strace $0x90000047  }
0x34: {  	s0 =	sadd.s32 @!p0 $0x100000, s1;
	[bflag:$0x2] =	sbarrier.arrive $0xFFFF  }
0x35: {  	[sflag:s0] =	ssyncadd.tile.s32 @!p0 $0x1;
	_ =	shalt  }
.Lfunc_end2:
_tile_overlayer_lowered:
.L_overlay_start_2:
0x36: {  	(tag) =	ssettag $0x2  }
0x37: {  	s0 =	rddreg [dreg:$0x0];
	s2 =	stileid.u32  }
0x38: {  	s1 =	rddreg [dreg:$0x1];
	p0 =	sne.s32 s2, $0x0  }
0x39: {  	s3 =	rddreg [dreg:$0x2];
	[bflag:$0x3] =	sbarrier.arrive $0xFFFF;
	s2 =	simm.s32 @!p0 $0x1C01  }
0x3a: {  	[timem:s3], [sflag:s2] =	dma.local @!p0 [hbm:s0], s1  }
0x3b: {  	s0 =	simm.s32 @!p0 $0x1  }
0x3c: {  	_ =	swait.ge @!p0 [sflag:s0], s1  }
0x3d: {  	s1 =	ssub.s32 @!p0 $0x0, s1;
	[sflag:s0] =	ssyncset.done @!p0 $0x0  }
0x3e: {  	[sflag:s0] =	ssyncadd.s32 @!p0 s1  }
0x3f: {  	[bflag:$0x3] =	sbarrier.arrive $0xFFFF  }
0x40: {  	_ =	shalt  }

</sc_bundles>
